<compile_context>
chip_gen: v7x
topology: tpu7x:2x2x1
jax: 0.10.2.dev20260603
libtpu: 0.0.44.dev20260713+nightly
codegen_flags: <defaults>
</compile_context>

<pallas_src>
import functools

import jax
import jax.numpy as jnp
from jax import lax
from jax.experimental import pallas as pl
from jax.experimental.pallas import tpu as pltpu
from jax.experimental.pallas import tpu_sc as plsc

_N = 10000
_E = 320000
_D = 128
_G = 512

_NC = 2
_NS = 16
_CHUNK = 128
_CPS = (-(-_E // (_NS * _CHUNK)) + 7) // 8 * 8
_IDXROWS = _NS * _CPS
_E_PAD = _IDXROWS * _CHUNK
_N_PAD = 10112
_ZROWS = _N_PAD // _NS
_OROWS = _N_PAD // _NS
_IDXBLK = 32
_NIB = _CPS // _IDXBLK

_BLK = 1000


def _lstm_body(x_ref, w_ref, b_ref, o_ref):
    x16 = x_ref[...].astype(jnp.bfloat16)
    g = jnp.dot(x16, w_ref[0], preferred_element_type=jnp.float32)
    g = g + b_ref[0]
    gi = g[:, 0 * _D:1 * _D]
    gg = g[:, 2 * _D:3 * _D]
    go = g[:, 3 * _D:4 * _D]
    si = 0.5 * jnp.tanh(0.5 * gi) + 0.5
    so = 0.5 * jnp.tanh(0.5 * go) + 0.5
    o_ref[...] = so * jnp.tanh(si * jnp.tanh(gg))


def _out_body(xd_ref, ag_ref, w1_ref, w2_ref, b_ref, o_ref):
    acc = jnp.dot(xd_ref[...].astype(jnp.bfloat16), w1_ref[...],
                  preferred_element_type=jnp.float32)
    acc = acc + jnp.dot(ag_ref[...].astype(jnp.bfloat16), w2_ref[...],
                        preferred_element_type=jnp.float32)
    o_ref[...] = jnp.maximum(acc + b_ref[...], 0.0)


def _lstm_messages(x_all, wT, bias):
    n = 2 * _N
    grid = n // _BLK
    half = grid // 2
    return pl.pallas_call(
        _lstm_body,
        grid=(grid,),
        in_specs=[
            pl.BlockSpec((_BLK, _D), lambda i: (i, 0)),
            pl.BlockSpec((1, _D, _G), lambda i: (i // half, 0, 0)),
            pl.BlockSpec((1, 1, _G), lambda i: (i // half, 0, 0)),
        ],
        out_specs=pl.BlockSpec((_BLK, _D), lambda i: (i, 0)),
        out_shape=jax.ShapeDtypeStruct((n, _D), jnp.float32),
    )(x_all, wT, bias)


def _update(x_dst, aggr_pad, w1T, w2T, b2):
    return pl.pallas_call(
        _out_body,
        grid=(_N // _BLK,),
        in_specs=[
            pl.BlockSpec((_BLK, _D), lambda i: (i, 0)),
            pl.BlockSpec((_BLK, _D), lambda i: (i, 0)),
            pl.BlockSpec((_D, _D), lambda i: (0, 0)),
            pl.BlockSpec((_D, _D), lambda i: (0, 0)),
            pl.BlockSpec((1, _D), lambda i: (0, 0)),
        ],
        out_specs=pl.BlockSpec((_BLK, _D), lambda i: (i, 0)),
        out_shape=jax.ShapeDtypeStruct((_N, _D), jnp.float32),
    )(x_dst, aggr_pad, w1T, w2T, b2)


@functools.lru_cache(maxsize=1)
def _sc_aggregate_fn():
    mesh = plsc.VectorSubcoreMesh(core_axis_name="c", subcore_axis_name="s")

    @functools.partial(
        pl.kernel,
        out_type=jax.ShapeDtypeStruct((_NC, _N_PAD, _D), jnp.float32),
        mesh=mesh,
        scratch_types=[
            pltpu.VMEM((_IDXBLK, _CHUNK), jnp.int32),
            pltpu.VMEM((_IDXBLK, _CHUNK), jnp.int32),
            pltpu.VMEM((_IDXBLK, _CHUNK), jnp.int32),
            pltpu.VMEM((_IDXBLK, _CHUNK), jnp.int32),
            pltpu.VMEM((_CHUNK, _D), jnp.float32),
            pltpu.VMEM((_CHUNK, _D), jnp.float32),
            pltpu.VMEM_SHARED((_N_PAD, _D), jnp.float32),
            pltpu.SemaphoreType.DMA,
            pltpu.SemaphoreType.DMA,
            pltpu.SemaphoreType.DMA,
            pltpu.SemaphoreType.DMA,
            pltpu.SemaphoreType.DMA,
        ],
    )
    def _sc_aggregate(m_hbm, src_hbm, dst_hbm, out_hbm,
                      sidx0, didx0, sidx1, didx1, buf_a, buf_b, acc,
                      gsa, gsb, ssa, ssb, isem):
        cid = lax.axis_index("c")
        sid = lax.axis_index("s")
        base = cid * _IDXROWS + sid * _CPS

        def _iwait(iref):
            pltpu.make_async_copy(src_hbm.at[pl.ds(0, _IDXBLK)], iref,
                                  isem).wait()

        pltpu.async_copy(src_hbm.at[pl.ds(base, _IDXBLK)], sidx0, isem)
        pltpu.async_copy(dst_hbm.at[pl.ds(base, _IDXBLK)], didx0, isem)

        zv = jnp.zeros((16,), jnp.float32)

        @pl.loop(0, _CHUNK)
        def _(r):
            @pl.loop(0, _D // 16)
            def _(c):
                buf_a[r, pl.ds(c * 16, 16)] = zv

        zbase = sid * _ZROWS
        for k in range(_ZROWS // _CHUNK):
            pltpu.sync_copy(buf_a, acc.at[pl.ds(zbase + k * _CHUNK, _CHUNK)])
        _zrem = _ZROWS % _CHUNK
        pltpu.sync_copy(
            buf_a.at[pl.ds(0, _zrem)],
            acc.at[pl.ds(zbase + (_ZROWS // _CHUNK) * _CHUNK, _zrem)])

        _iwait(sidx0)
        _iwait(didx0)
        plsc.subcore_barrier()

        def _gwait(buf, sem):
            pltpu.make_async_copy(m_hbm.at[pl.ds(0, _CHUNK)], buf, sem).wait()

        def _swait(buf, sem):
            pltpu.make_async_copy(buf, acc.at[pl.ds(0, _CHUNK)], sem).wait()

        idx_sets = [(sidx0, didx0), (sidx1, didx1)]
        for b in range(_NIB):
            sidx, didx = idx_sets[b % 2]
            if b + 1 < _NIB:
                s_nxt, d_nxt = idx_sets[(b + 1) % 2]
                nb = base + (b + 1) * _IDXBLK
                pltpu.async_copy(src_hbm.at[pl.ds(nb, _IDXBLK)], s_nxt, isem)
                pltpu.async_copy(dst_hbm.at[pl.ds(nb, _IDXBLK)], d_nxt, isem)
            pltpu.async_copy(m_hbm.at[sidx.at[0]], buf_a, gsa)
            _gwait(buf_a, gsa)
            pltpu.async_copy(buf_a, acc.at[didx.at[0]], ssa, add=True)
            pltpu.async_copy(m_hbm.at[sidx.at[1]], buf_b, gsb)

            @pl.loop(0, _IDXBLK // 2 - 1)
            def _(jj):
                j0 = 2 * jj
                _gwait(buf_b, gsb)
                pltpu.async_copy(buf_b, acc.at[didx.at[j0 + 1]], ssb,
                                 add=True)
                _swait(buf_a, ssa)
                pltpu.async_copy(m_hbm.at[sidx.at[j0 + 2]], buf_a, gsa)
                _gwait(buf_a, gsa)
                pltpu.async_copy(buf_a, acc.at[didx.at[j0 + 2]], ssa,
                                 add=True)
                _swait(buf_b, ssb)
                pltpu.async_copy(m_hbm.at[sidx.at[j0 + 3]], buf_b, gsb)

            _gwait(buf_b, gsb)
            pltpu.async_copy(buf_b, acc.at[didx.at[_IDXBLK - 1]], ssb,
                             add=True)
            _swait(buf_a, ssa)
            _swait(buf_b, ssb)
            if b + 1 < _NIB:
                s_nxt, d_nxt = idx_sets[(b + 1) % 2]
                _iwait(s_nxt)
                _iwait(d_nxt)

        plsc.subcore_barrier()
        pltpu.sync_copy(acc.at[pl.ds(sid * _OROWS, _OROWS)],
                        out_hbm.at[cid, pl.ds(sid * _OROWS, _OROWS)])

    return _sc_aggregate


def _prep_edges(ei, src_off):
    npad = _E_PAD - _E
    src = ei[0].astype(jnp.int32) + src_off
    dst = ei[1].astype(jnp.int32)
    src = jnp.concatenate([src, jnp.full((npad,), src_off, jnp.int32)])
    dst = jnp.concatenate([dst, jnp.full((npad,), _N, jnp.int32)])
    return src.reshape(_IDXROWS, _CHUNK), dst.reshape(_IDXROWS, _CHUNK)


def kernel(x_a, x_b, edge_index_ab, edge_index_ba,
           W_ih_ab, b_ih_ab, W_hh_ab, b_hh_ab, W_lin_ab, b_lin_ab,
           W_ih_ba, b_ih_ba, W_hh_ba, b_hh_ba, W_lin_ba, b_lin_ba):
    bf16 = jnp.bfloat16
    x_all = jnp.concatenate([x_a, x_b], axis=0)
    wT = jnp.stack([W_ih_ab.T, W_ih_ba.T]).astype(bf16)
    bias = jnp.stack([(b_ih_ab + b_hh_ab)[None, :],
                      (b_ih_ba + b_hh_ba)[None, :]])
    m_all = _lstm_messages(x_all, wT, bias)

    sab, dab = _prep_edges(edge_index_ab, 0)
    sba, dba = _prep_edges(edge_index_ba, _N)
    src_all = jnp.concatenate([sab, sba], axis=0)
    dst_all = jnp.concatenate([dab, dba], axis=0)
    aggr = _sc_aggregate_fn()(m_all, src_all, dst_all)

    out_b = _update(x_b, aggr[0], W_lin_ab[:, :_D].T.astype(bf16),
                    W_lin_ab[:, _D:].T.astype(bf16), b_lin_ab[None, :])
    out_a = _update(x_a, aggr[1], W_lin_ba[:, :_D].T.astype(bf16),
                    W_lin_ba[:, _D:].T.astype(bf16), b_lin_ba[None, :])
    return out_a, out_b

# --- scband reference (transcript-rebuilt; emitter-appended) ---
"""Pipeline reference for scband-hetero-gnn-790273982767 (READ-ONLY COPY).

The authoritative reference and input builder live on the scoring server;
editing this copy changes nothing except your own understanding.
"""

import jax, jax.numpy as jnp
import numpy as np

N_A = 10000
N_B = 10000
E = 320000
D_A = 128
D_B = 128
C_OUT = 128


def setup_inputs(seed: int = 0) -> dict:
    key = jax.random.key(seed)
    ks = jax.random.split(key, 16)
    inp = {}
    inp["x_a"] = jax.random.normal(ks[0], (N_A, D_A), dtype=jnp.float32)
    inp["x_b"] = jax.random.normal(ks[1], (N_B, D_B), dtype=jnp.float32)
    inp["edge_index_ab"] = jnp.stack([
        jax.random.randint(ks[2], (E,), 0, N_A),
        jax.random.randint(ks[3], (E,), 0, N_B),
    ], axis=0).astype(jnp.int64)
    inp["edge_index_ba"] = jnp.stack([
        jax.random.randint(ks[4], (E,), 0, N_B),
        jax.random.randint(ks[5], (E,), 0, N_A),
    ], axis=0).astype(jnp.int64)
    s = 0.05
    # a_to_b conv params (LSTM over type_a feats, linear over [x_b, aggr])
    inp["W_ih_ab"] = jax.random.normal(ks[6], (4 * C_OUT, D_A), dtype=jnp.float32) * s
    inp["b_ih_ab"] = jnp.zeros((4 * C_OUT,), dtype=jnp.float32)
    inp["W_hh_ab"] = jax.random.normal(ks[7], (4 * C_OUT, C_OUT), dtype=jnp.float32) * s
    inp["b_hh_ab"] = jnp.zeros((4 * C_OUT,), dtype=jnp.float32)
    inp["W_lin_ab"] = jax.random.normal(ks[8], (C_OUT, D_B + C_OUT), dtype=jnp.float32) * s
    inp["b_lin_ab"] = jnp.zeros((C_OUT,), dtype=jnp.float32)
    # b_to_a conv params
    inp["W_ih_ba"] = jax.random.normal(ks[9], (4 * C_OUT, D_B), dtype=jnp.float32) * s
    inp["b_ih_ba"] = jnp.zeros((4 * C_OUT,), dtype=jnp.float32)
    inp["W_hh_ba"] = jax.random.normal(ks[10], (4 * C_OUT, C_OUT), dtype=jnp.float32) * s
    inp["b_hh_ba"] = jnp.zeros((4 * C_OUT,), dtype=jnp.float32)
    inp["W_lin_ba"] = jax.random.normal(ks[11], (C_OUT, D_A + C_OUT), dtype=jnp.float32) * s
    inp["b_lin_ba"] = jnp.zeros((C_OUT,), dtype=jnp.float32)
    return inp


def _lstm_single_step(x, W_ih, b_ih, W_hh, b_hh):
    # PyTorch nn.LSTM, seq_len=1, zero initial (h, c). h0=0 so W_hh contributes nothing
    # in the forward, but b_hh does. Gate order: i, f, g, o.
    gates = x @ W_ih.T + b_ih + b_hh
    i, f, g, o = jnp.split(gates, 4, axis=-1)
    i = jax.nn.sigmoid(i)
    g = jnp.tanh(g)
    o = jax.nn.sigmoid(o)
    c = i * g  # f * c0 = 0
    return o * jnp.tanh(c)


def _conv(x_src, x_dst, edge_index, W_ih, b_ih, W_hh, b_hh, W_lin, b_lin, n_dst):
    src = edge_index[0]
    dst = edge_index[1]
    # message: gather source feats, per-edge LSTM step
    x_j = jnp.take(x_src, src, axis=0)
    m = _lstm_single_step(x_j, W_ih, b_ih, W_hh, b_hh)
    # aggregate: scatter-add to destination nodes
    aggr = jax.ops.segment_sum(m, dst, num_segments=n_dst)
    # update: concat + linear + relu (dropout is identity in eval mode)
    h = jnp.concatenate([x_dst, aggr], axis=-1)
    return jax.nn.relu(h @ W_lin.T + b_lin)


def reference(x_a, x_b, edge_index_ab, edge_index_ba,
              W_ih_ab, b_ih_ab, W_hh_ab, b_hh_ab, W_lin_ab, b_lin_ab,
              W_ih_ba, b_ih_ba, W_hh_ba, b_hh_ba, W_lin_ba, b_lin_ba):
    # HeteroConv with aggr='sum': each dst type is updated by exactly one relation.
    out_b = _conv(x_a, x_b, edge_index_ab, W_ih_ab, b_ih_ab, W_hh_ab, b_hh_ab,
                  W_lin_ab, b_lin_ab, N_B)
    out_a = _conv(x_b, x_a, edge_index_ba, W_ih_ba, b_ih_ba, W_hh_ba, b_hh_ba,
                  W_lin_ba, b_lin_ba, N_A)
    return (out_a, out_b)

if __name__ == "__main__":
    import jax
    _d = setup_inputs()
    print(jax.jit(kernel)(*tuple(_d.values())))

</pallas_src>

<mosaic_0001>
#map = affine_map<(d0, d1) -> (0, 0)>
#map1 = affine_map<(d0, d1) -> (0, 0, 0)>
module attributes {stable_mosaic.version = 14 : i64} {
  func.func @_sc_aggregate(%arg0: i32, %arg1: i32, %arg2: memref<20000x128xf32, #tpu.memory_space<hbm>>, %arg3: memref<5120x128xi32, #tpu.memory_space<hbm>>, %arg4: memref<5120x128xi32, #tpu.memory_space<hbm>>, %arg5: memref<2x10112x128xf32, #tpu.memory_space<hbm>>, %arg6: memref<32x128xi32, #tpu.memory_space<vmem>>, %arg7: memref<32x128xi32, #tpu.memory_space<vmem>>, %arg8: memref<32x128xi32, #tpu.memory_space<vmem>>, %arg9: memref<32x128xi32, #tpu.memory_space<vmem>>, %arg10: memref<128x128xf32, #tpu.memory_space<vmem>>, %arg11: memref<128x128xf32, #tpu.memory_space<vmem>>, %arg12: memref<10112x128xf32, #tpu.memory_space<vmem_shared>>, %arg13: memref<!tpu.dma_semaphore, #tpu.memory_space<semaphore_mem>>, %arg14: memref<!tpu.dma_semaphore, #tpu.memory_space<semaphore_mem>>, %arg15: memref<!tpu.dma_semaphore, #tpu.memory_space<semaphore_mem>>, %arg16: memref<!tpu.dma_semaphore, #tpu.memory_space<semaphore_mem>>, %arg17: memref<!tpu.dma_semaphore, #tpu.memory_space<semaphore_mem>>) attributes {dimension_semantics = [#tpu.dimension_semantics<core_parallel>, #tpu.dimension_semantics<subcore_parallel>], iteration_bounds = array<i64: 2, 16>, scalar_prefetch = 0 : i64, scratch_operands = 12 : i64, tpu.core_type = #tpu.core_type<sc_vector_subcore>, window_params = [{transform_indices = #map}, {transform_indices = #map}, {transform_indices = #map}, {transform_indices = #map1}]} {
    %mul3A = arith.constant 2560 : i32
    %mul3A_0 = arith.muli %arg0, %mul3A : i32
    %mul3A_1 = arith.constant 160 : i32
    %mul3A_2 = arith.muli %arg1, %mul3A_1 : i32
    %add3A = arith.addi %mul3A_0, %mul3A_2 : i32
    %dma_start3A = arith.constant 0 : i32
    %dma_start3A_3 = tpu.memref_slice %arg3[%add3A, %dma_start3A] : memref<5120x128xi32, #tpu.memory_space<hbm>> -> memref<32x128xi32, #tpu.memory_space<hbm>>
    %dma_start3A_4 = arith.constant 0 : i32
    %dma_start3A_5 = tpu.memref_slice %arg3[%add3A, %dma_start3A_4] : memref<5120x128xi32, #tpu.memory_space<hbm>> -> memref<32x128xi32, #tpu.memory_space<hbm>>
    tpu.enqueue_dma source(%dma_start3A_5 : memref<32x128xi32, #tpu.memory_space<hbm>>) target(%arg6 : memref<32x128xi32, #tpu.memory_space<vmem>>) target_semaphore(%arg17 : memref<!tpu.dma_semaphore, #tpu.memory_space<semaphore_mem>>)
    %dma_start3A_6 = arith.constant 0 : i32
    %dma_start3A_7 = tpu.memref_slice %arg4[%add3A, %dma_start3A_6] : memref<5120x128xi32, #tpu.memory_space<hbm>> -> memref<32x128xi32, #tpu.memory_space<hbm>>
    %dma_start3A_8 = arith.constant 0 : i32
    %dma_start3A_9 = tpu.memref_slice %arg4[%add3A, %dma_start3A_8] : memref<5120x128xi32, #tpu.memory_space<hbm>> -> memref<32x128xi32, #tpu.memory_space<hbm>>
    tpu.enqueue_dma source(%dma_start3A_9 : memref<32x128xi32, #tpu.memory_space<hbm>>) target(%arg7 : memref<32x128xi32, #tpu.memory_space<vmem>>) target_semaphore(%arg17 : memref<!tpu.dma_semaphore, #tpu.memory_space<semaphore_mem>>)
    %broadcast_in_dim3A = arith.constant 0.000000e+00 : f32
    %broadcast_in_dim3A_10 = vector.broadcast %broadcast_in_dim3A : f32 to vector<16xf32>
    %scan3A = arith.constant 0 : i32
    %scan3A_11 = arith.constant 128 : i32
    %scan3A_12 = arith.addi %scan3A, %scan3A_11 : i32
    %scan3A_13 = arith.constant 1 : i32
    scf.for %scan3A_416 = %scan3A to %scan3A_12 step %scan3A_13  : i32 {
      %mul3A_417 = arith.constant 1 : i32
      %mul3A_418 = arith.muli %scan3A_416, %mul3A_417 : i32
      %add3A_419 = arith.constant 0 : i32
      %add3A_420 = arith.addi %add3A_419, %mul3A_418 : i32
      %scan3A_421 = arith.constant 0 : i32
      %scan3A_422 = arith.constant 8 : i32
      %scan3A_423 = arith.addi %scan3A_421, %scan3A_422 : i32
      %scan3A_424 = arith.constant 1 : i32
      scf.for %scan3A_426 = %scan3A_421 to %scan3A_423 step %scan3A_424  : i32 {
        %mul3A_427 = arith.constant 1 : i32
        %mul3A_428 = arith.muli %scan3A_426, %mul3A_427 : i32
        %add3A_429 = arith.constant 0 : i32
        %add3A_430 = arith.addi %add3A_429, %mul3A_428 : i32
        %mul3A_431 = arith.constant 16 : i32
        %mul3A_432 = arith.muli %add3A_430, %mul3A_431 : i32
        %swap3A = arith.index_cast %add3A_420 : i32 to index
        %swap3A_433 = arith.index_cast %mul3A_432 : i32 to index
        %swap3A_434 = tpu.vector_load %arg10[%swap3A, %swap3A_433] {strides = array<i32>} : memref<128x128xf32, #tpu.memory_space<vmem>>, vector<1x16xf32>,
        %swap3A_435 = vector.shape_cast %swap3A_434 : vector<1x16xf32> to vector<16xf32>
        %swap3A_436 = vector.shape_cast %broadcast_in_dim3A_10 : vector<16xf32> to vector<1x16xf32>
        tpu.vector_store %arg10[%swap3A, %swap3A_433], %swap3A_436 {strides = array<i32>} : memref<128x128xf32, #tpu.memory_space<vmem>>, vector<1x16xf32>,
      }
      %scan3A_425 = arith.constant 8 : i32
    }
    %scan3A_14 = arith.constant 128 : i32
    %mul3A_15 = arith.constant 632 : i32
    %mul3A_16 = arith.muli %arg1, %mul3A_15 : i32
    %add3A_17 = arith.constant 0 : i32
    %add3A_18 = arith.addi %mul3A_16, %add3A_17 : i32
    "tpu.region"() ({
      %run_scoped3A = tpu.sem_alloc : memref<!tpu.dma_semaphore, #tpu.memory_space<semaphore_mem>>
      %dma_start3A_416 = arith.constant 0 : i32
      %dma_start3A_417 = tpu.memref_slice %arg12[%add3A_18, %dma_start3A_416] : memref<10112x128xf32, #tpu.memory_space<vmem_shared>> -> memref<128x128xf32, #tpu.memory_space<vmem_shared>>
      %dma_start3A_418 = arith.constant 0 : i32
      %dma_start3A_419 = tpu.memref_slice %arg12[%add3A_18, %dma_start3A_418] : memref<10112x128xf32, #tpu.memory_space<vmem_shared>> -> memref<128x128xf32, #tpu.memory_space<vmem_shared>>
      tpu.enqueue_dma source(%arg10 : memref<128x128xf32, #tpu.memory_space<vmem>>) target(%dma_start3A_419 : memref<128x128xf32, #tpu.memory_space<vmem_shared>>) target_semaphore(%run_scoped3A : memref<!tpu.dma_semaphore, #tpu.memory_space<semaphore_mem>>)
      %dma_wait3A_420 = arith.constant 0 : i32
      %dma_wait3A_421 = tpu.memref_slice %arg12[%add3A_18, %dma_wait3A_420] : memref<10112x128xf32, #tpu.memory_space<vmem_shared>> -> memref<128x128xf32, #tpu.memory_space<vmem_shared>>
      %dma_wait3A_422 = arith.constant 0 : i32
      %dma_wait3A_423 = tpu.memref_slice %arg12[%add3A_18, %dma_wait3A_422] : memref<10112x128xf32, #tpu.memory_space<vmem_shared>> -> memref<128x128xf32, #tpu.memory_space<vmem_shared>>
      tpu.wait_dma2 semaphore(%run_scoped3A : memref<!tpu.dma_semaphore, #tpu.memory_space<semaphore_mem>>) src(%arg10 : memref<128x128xf32, #tpu.memory_space<vmem>>) dst(%dma_wait3A_423 : memref<128x128xf32, #tpu.memory_space<vmem_shared>>)
      tpu.yield
    }) : () -> ()
    %add3A_19 = arith.constant 128 : i32
    %add3A_20 = arith.addi %mul3A_16, %add3A_19 : i32
    "tpu.region"() ({
      %run_scoped3A = tpu.sem_alloc : memref<!tpu.dma_semaphore, #tpu.memory_space<semaphore_mem>>
      %dma_start3A_416 = arith.constant 0 : i32
      %dma_start3A_417 = tpu.memref_slice %arg12[%add3A_20, %dma_start3A_416] : memref<10112x128xf32, #tpu.memory_space<vmem_shared>> -> memref<128x128xf32, #tpu.memory_space<vmem_shared>>
      %dma_start3A_418 = arith.constant 0 : i32
      %dma_start3A_419 = tpu.memref_slice %arg12[%add3A_20, %dma_start3A_418] : memref<10112x128xf32, #tpu.memory_space<vmem_shared>> -> memref<128x128xf32, #tpu.memory_space<vmem_shared>>
      tpu.enqueue_dma source(%arg10 : memref<128x128xf32, #tpu.memory_space<vmem>>) target(%dma_start3A_419 : memref<128x128xf32, #tpu.memory_space<vmem_shared>>) target_semaphore(%run_scoped3A : memref<!tpu.dma_semaphore, #tpu.memory_space<semaphore_mem>>)
      %dma_wait3A_420 = arith.constant 0 : i32
      %dma_wait3A_421 = tpu.memref_slice %arg12[%add3A_20, %dma_wait3A_420] : memref<10112x128xf32, #tpu.memory_space<vmem_shared>> -> memref<128x128xf32, #tpu.memory_space<vmem_shared>>
      %dma_wait3A_422 = arith.constant 0 : i32
      %dma_wait3A_423 = tpu.memref_slice %arg12[%add3A_20, %dma_wait3A_422] : memref<10112x128xf32, #tpu.memory_space<vmem_shared>> -> memref<128x128xf32, #tpu.memory_space<vmem_shared>>
      tpu.wait_dma2 semaphore(%run_scoped3A : memref<!tpu.dma_semaphore, #tpu.memory_space<semaphore_mem>>) src(%arg10 : memref<128x128xf32, #tpu.memory_space<vmem>>) dst(%dma_wait3A_423 : memref<128x128xf32, #tpu.memory_space<vmem_shared>>)
      tpu.yield
    }) : () -> ()
    %add3A_21 = arith.constant 256 : i32
    %add3A_22 = arith.addi %mul3A_16, %add3A_21 : i32
    "tpu.region"() ({
      %run_scoped3A = tpu.sem_alloc : memref<!tpu.dma_semaphore, #tpu.memory_space<semaphore_mem>>
      %dma_start3A_416 = arith.constant 0 : i32
      %dma_start3A_417 = tpu.memref_slice %arg12[%add3A_22, %dma_start3A_416] : memref<10112x128xf32, #tpu.memory_space<vmem_shared>> -> memref<128x128xf32, #tpu.memory_space<vmem_shared>>
      %dma_start3A_418 = arith.constant 0 : i32
      %dma_start3A_419 = tpu.memref_slice %arg12[%add3A_22, %dma_start3A_418] : memref<10112x128xf32, #tpu.memory_space<vmem_shared>> -> memref<128x128xf32, #tpu.memory_space<vmem_shared>>
      tpu.enqueue_dma source(%arg10 : memref<128x128xf32, #tpu.memory_space<vmem>>) target(%dma_start3A_419 : memref<128x128xf32, #tpu.memory_space<vmem_shared>>) target_semaphore(%run_scoped3A : memref<!tpu.dma_semaphore, #tpu.memory_space<semaphore_mem>>)
      %dma_wait3A_420 = arith.constant 0 : i32
      %dma_wait3A_421 = tpu.memref_slice %arg12[%add3A_22, %dma_wait3A_420] : memref<10112x128xf32, #tpu.memory_space<vmem_shared>> -> memref<128x128xf32, #tpu.memory_space<vmem_shared>>
      %dma_wait3A_422 = arith.constant 0 : i32
      %dma_wait3A_423 = tpu.memref_slice %arg12[%add3A_22, %dma_wait3A_422] : memref<10112x128xf32, #tpu.memory_space<vmem_shared>> -> memref<128x128xf32, #tpu.memory_space<vmem_shared>>
      tpu.wait_dma2 semaphore(%run_scoped3A : memref<!tpu.dma_semaphore, #tpu.memory_space<semaphore_mem>>) src(%arg10 : memref<128x128xf32, #tpu.memory_space<vmem>>) dst(%dma_wait3A_423 : memref<128x128xf32, #tpu.memory_space<vmem_shared>>)
      tpu.yield
    }) : () -> ()
    %add3A_23 = arith.constant 384 : i32
    %add3A_24 = arith.addi %mul3A_16, %add3A_23 : i32
    "tpu.region"() ({
      %run_scoped3A = tpu.sem_alloc : memref<!tpu.dma_semaphore, #tpu.memory_space<semaphore_mem>>
      %dma_start3A_416 = arith.constant 0 : i32
      %dma_start3A_417 = tpu.memref_slice %arg12[%add3A_24, %dma_start3A_416] : memref<10112x128xf32, #tpu.memory_space<vmem_shared>> -> memref<128x128xf32, #tpu.memory_space<vmem_shared>>
      %dma_start3A_418 = arith.constant 0 : i32
      %dma_start3A_419 = tpu.memref_slice %arg12[%add3A_24, %dma_start3A_418] : memref<10112x128xf32, #tpu.memory_space<vmem_shared>> -> memref<128x128xf32, #tpu.memory_space<vmem_shared>>
      tpu.enqueue_dma source(%arg10 : memref<128x128xf32, #tpu.memory_space<vmem>>) target(%dma_start3A_419 : memref<128x128xf32, #tpu.memory_space<vmem_shared>>) target_semaphore(%run_scoped3A : memref<!tpu.dma_semaphore, #tpu.memory_space<semaphore_mem>>)
      %dma_wait3A_420 = arith.constant 0 : i32
      %dma_wait3A_421 = tpu.memref_slice %arg12[%add3A_24, %dma_wait3A_420] : memref<10112x128xf32, #tpu.memory_space<vmem_shared>> -> memref<128x128xf32, #tpu.memory_space<vmem_shared>>
      %dma_wait3A_422 = arith.constant 0 : i32
      %dma_wait3A_423 = tpu.memref_slice %arg12[%add3A_24, %dma_wait3A_422] : memref<10112x128xf32, #tpu.memory_space<vmem_shared>> -> memref<128x128xf32, #tpu.memory_space<vmem_shared>>
      tpu.wait_dma2 semaphore(%run_scoped3A : memref<!tpu.dma_semaphore, #tpu.memory_space<semaphore_mem>>) src(%arg10 : memref<128x128xf32, #tpu.memory_space<vmem>>) dst(%dma_wait3A_423 : memref<128x128xf32, #tpu.memory_space<vmem_shared>>)
      tpu.yield
    }) : () -> ()
    %add3A_25 = arith.constant 512 : i32
    %add3A_26 = arith.addi %mul3A_16, %add3A_25 : i32
    "tpu.region"() ({
      %run_scoped3A = tpu.sem_alloc : memref<!tpu.dma_semaphore, #tpu.memory_space<semaphore_mem>>
      %dma_start3A_416 = arith.constant 0 : i32
      %dma_start3A_417 = arith.constant 0 : i32
      %dma_start3A_418 = tpu.memref_slice %arg10[%dma_start3A_416, %dma_start3A_417] : memref<128x128xf32, #tpu.memory_space<vmem>> -> memref<120x128xf32, #tpu.memory_space<vmem>>
      %dma_start3A_419 = arith.constant 0 : i32
      %dma_start3A_420 = tpu.memref_slice %arg12[%add3A_26, %dma_start3A_419] : memref<10112x128xf32, #tpu.memory_space<vmem_shared>> -> memref<120x128xf32, #tpu.memory_space<vmem_shared>>
      %dma_start3A_421 = arith.constant 0 : i32
      %dma_start3A_422 = tpu.memref_slice %arg12[%add3A_26, %dma_start3A_421] : memref<10112x128xf32, #tpu.memory_space<vmem_shared>> -> memref<120x128xf32, #tpu.memory_space<vmem_shared>>
      %dma_start3A_423 = arith.constant 0 : i32
      %dma_start3A_424 = arith.constant 0 : i32
      %dma_start3A_425 = tpu.memref_slice %arg10[%dma_start3A_423, %dma_start3A_424] : memref<128x128xf32, #tpu.memory_space<vmem>> -> memref<120x128xf32, #tpu.memory_space<vmem>>
      tpu.enqueue_dma source(%dma_start3A_425 : memref<120x128xf32, #tpu.memory_space<vmem>>) target(%dma_start3A_422 : memref<120x128xf32, #tpu.memory_space<vmem_shared>>) target_semaphore(%run_scoped3A : memref<!tpu.dma_semaphore, #tpu.memory_space<semaphore_mem>>)
      %dma_wait3A_426 = arith.constant 0 : i32
      %dma_wait3A_427 = arith.constant 0 : i32
      %dma_wait3A_428 = tpu.memref_slice %arg10[%dma_wait3A_426, %dma_wait3A_427] : memref<128x128xf32, #tpu.memory_space<vmem>> -> memref<120x128xf32, #tpu.memory_space<vmem>>
      %dma_wait3A_429 = arith.constant 0 : i32
      %dma_wait3A_430 = tpu.memref_slice %arg12[%add3A_26, %dma_wait3A_429] : memref<10112x128xf32, #tpu.memory_space<vmem_shared>> -> memref<120x128xf32, #tpu.memory_space<vmem_shared>>
      %dma_wait3A_431 = arith.constant 0 : i32
      %dma_wait3A_432 = tpu.memref_slice %arg12[%add3A_26, %dma_wait3A_431] : memref<10112x128xf32, #tpu.memory_space<vmem_shared>> -> memref<120x128xf32, #tpu.memory_space<vmem_shared>>
      %dma_wait3A_433 = arith.constant 0 : i32
      %dma_wait3A_434 = arith.constant 0 : i32
      %dma_wait3A_435 = tpu.memref_slice %arg10[%dma_wait3A_433, %dma_wait3A_434] : memref<128x128xf32, #tpu.memory_space<vmem>> -> memref<120x128xf32, #tpu.memory_space<vmem>>
      tpu.wait_dma2 semaphore(%run_scoped3A : memref<!tpu.dma_semaphore, #tpu.memory_space<semaphore_mem>>) src(%dma_wait3A_435 : memref<120x128xf32, #tpu.memory_space<vmem>>) dst(%dma_wait3A_432 : memref<120x128xf32, #tpu.memory_space<vmem_shared>>)
      tpu.yield
    }) : () -> ()
    %dma_wait3A = arith.constant 0 : i32
    %dma_wait3A_27 = arith.constant 0 : i32
    %dma_wait3A_28 = tpu.memref_slice %arg3[%dma_wait3A, %dma_wait3A_27] : memref<5120x128xi32, #tpu.memory_space<hbm>> -> memref<32x128xi32, #tpu.memory_space<hbm>>
    %dma_wait3A_29 = arith.constant 0 : i32
    %dma_wait3A_30 = arith.constant 0 : i32
    %dma_wait3A_31 = tpu.memref_slice %arg3[%dma_wait3A_29, %dma_wait3A_30] : memref<5120x128xi32, #tpu.memory_space<hbm>> -> memref<32x128xi32, #tpu.memory_space<hbm>>
    tpu.wait_dma2 semaphore(%arg17 : memref<!tpu.dma_semaphore, #tpu.memory_space<semaphore_mem>>) src(%dma_wait3A_31 : memref<32x128xi32, #tpu.memory_space<hbm>>) dst(%arg6 : memref<32x128xi32, #tpu.memory_space<vmem>>)
    %dma_wait3A_32 = arith.constant 0 : i32
    %dma_wait3A_33 = arith.constant 0 : i32
    %dma_wait3A_34 = tpu.memref_slice %arg3[%dma_wait3A_32, %dma_wait3A_33] : memref<5120x128xi32, #tpu.memory_space<hbm>> -> memref<32x128xi32, #tpu.memory_space<hbm>>
    %dma_wait3A_35 = arith.constant 0 : i32
    %dma_wait3A_36 = arith.constant 0 : i32
    %dma_wait3A_37 = tpu.memref_slice %arg3[%dma_wait3A_35, %dma_wait3A_36] : memref<5120x128xi32, #tpu.memory_space<hbm>> -> memref<32x128xi32, #tpu.memory_space<hbm>>
    tpu.wait_dma2 semaphore(%arg17 : memref<!tpu.dma_semaphore, #tpu.memory_space<semaphore_mem>>) src(%dma_wait3A_37 : memref<32x128xi32, #tpu.memory_space<hbm>>) dst(%arg7 : memref<32x128xi32, #tpu.memory_space<vmem>>)
    %barrier3A = arith.constant 0 : index
    tpu.barrier barrier_id(%barrier3A)
    %add3A_38 = arith.constant 32 : i32
    %add3A_39 = arith.addi %add3A, %add3A_38 : i32
    %dma_start3A_40 = arith.constant 0 : i32
    %dma_start3A_41 = tpu.memref_slice %arg3[%add3A_39, %dma_start3A_40] : memref<5120x128xi32, #tpu.memory_space<hbm>> -> memref<32x128xi32, #tpu.memory_space<hbm>>
    %dma_start3A_42 = arith.constant 0 : i32
    %dma_start3A_43 = tpu.memref_slice %arg3[%add3A_39, %dma_start3A_42] : memref<5120x128xi32, #tpu.memory_space<hbm>> -> memref<32x128xi32, #tpu.memory_space<hbm>>
    tpu.enqueue_dma source(%dma_start3A_43 : memref<32x128xi32, #tpu.memory_space<hbm>>) target(%arg8 : memref<32x128xi32, #tpu.memory_space<vmem>>) target_semaphore(%arg17 : memref<!tpu.dma_semaphore, #tpu.memory_space<semaphore_mem>>)
    %dma_start3A_44 = arith.constant 0 : i32
    %dma_start3A_45 = tpu.memref_slice %arg4[%add3A_39, %dma_start3A_44] : memref<5120x128xi32, #tpu.memory_space<hbm>> -> memref<32x128xi32, #tpu.memory_space<hbm>>
    %dma_start3A_46 = arith.constant 0 : i32
    %dma_start3A_47 = tpu.memref_slice %arg4[%add3A_39, %dma_start3A_46] : memref<5120x128xi32, #tpu.memory_space<hbm>> -> memref<32x128xi32, #tpu.memory_space<hbm>>
    tpu.enqueue_dma source(%dma_start3A_47 : memref<32x128xi32, #tpu.memory_space<hbm>>) target(%arg9 : memref<32x128xi32, #tpu.memory_space<vmem>>) target_semaphore(%arg17 : memref<!tpu.dma_semaphore, #tpu.memory_space<semaphore_mem>>)
    %dma_start3A_48 = arith.constant 0 : i32
    %dma_start3A_49 = arith.constant 0 : i32
    %dma_start3A_50 = tpu.memref_slice %arg6[%dma_start3A_48, %dma_start3A_49] : memref<32x128xi32, #tpu.memory_space<vmem>> -> memref<1x128xi32, #tpu.memory_space<vmem>>
    %dma_start3A_51 = tpu.memref_squeeze %dma_start3A_50 : memref<1x128xi32, #tpu.memory_space<vmem>> -> memref<128xi32, #tpu.memory_space<vmem>>
    %dma_start3A_52 = arith.constant 0 : i32
    %dma_start3A_53 = arith.constant 0 : i32
    %dma_start3A_54 = tpu.memref_slice %arg2[%dma_start3A_52, %dma_start3A_53] : memref<20000x128xf32, #tpu.memory_space<hbm>> -> memref<20000x128xf32, #tpu.memory_space<hbm>>
    tpu.enqueue_indirect_dma source(%dma_start3A_54 : memref<20000x128xf32, #tpu.memory_space<hbm>>) target(%arg10 : memref<128x128xf32, #tpu.memory_space<vmem>>) offsets(%dma_start3A_51 : memref<128xi32, #tpu.memory_space<vmem>>) semaphore(%arg13 : memref<!tpu.dma_semaphore, #tpu.memory_space<semaphore_mem>>)
    %dma_wait3A_55 = arith.constant 0 : i32
    %dma_wait3A_56 = arith.constant 0 : i32
    %dma_wait3A_57 = tpu.memref_slice %arg2[%dma_wait3A_55, %dma_wait3A_56] : memref<20000x128xf32, #tpu.memory_space<hbm>> -> memref<128x128xf32, #tpu.memory_space<hbm>>
    %dma_wait3A_58 = arith.constant 0 : i32
    %dma_wait3A_59 = arith.constant 0 : i32
    %dma_wait3A_60 = tpu.memref_slice %arg2[%dma_wait3A_58, %dma_wait3A_59] : memref<20000x128xf32, #tpu.memory_space<hbm>> -> memref<128x128xf32, #tpu.memory_space<hbm>>
    tpu.wait_dma2 semaphore(%arg13 : memref<!tpu.dma_semaphore, #tpu.memory_space<semaphore_mem>>) src(%dma_wait3A_60 : memref<128x128xf32, #tpu.memory_space<hbm>>) dst(%arg10 : memref<128x128xf32, #tpu.memory_space<vmem>>)
    %dma_start3A_61 = arith.constant 0 : i32
    %dma_start3A_62 = arith.constant 0 : i32
    %dma_start3A_63 = tpu.memref_slice %arg7[%dma_start3A_61, %dma_start3A_62] : memref<32x128xi32, #tpu.memory_space<vmem>> -> memref<1x128xi32, #tpu.memory_space<vmem>>
    %dma_start3A_64 = tpu.memref_squeeze %dma_start3A_63 : memref<1x128xi32, #tpu.memory_space<vmem>> -> memref<128xi32, #tpu.memory_space<vmem>>
    %dma_start3A_65 = arith.constant 0 : i32
    %dma_start3A_66 = arith.constant 0 : i32
    %dma_start3A_67 = tpu.memref_slice %arg12[%dma_start3A_65, %dma_start3A_66] : memref<10112x128xf32, #tpu.memory_space<vmem_shared>> -> memref<10112x128xf32, #tpu.memory_space<vmem_shared>>
    tpu.enqueue_indirect_dma source(%arg10 : memref<128x128xf32, #tpu.memory_space<vmem>>) target(%dma_start3A_67 : memref<10112x128xf32, #tpu.memory_space<vmem_shared>>) offsets(%dma_start3A_64 : memref<128xi32, #tpu.memory_space<vmem>>) semaphore(%arg15 : memref<!tpu.dma_semaphore, #tpu.memory_space<semaphore_mem>>) {add = true}
    %dma_start3A_68 = arith.constant 1 : i32
    %dma_start3A_69 = arith.constant 0 : i32
    %dma_start3A_70 = tpu.memref_slice %arg6[%dma_start3A_68, %dma_start3A_69] : memref<32x128xi32, #tpu.memory_space<vmem>> -> memref<1x128xi32, #tpu.memory_space<vmem>>
    %dma_start3A_71 = tpu.memref_squeeze %dma_start3A_70 : memref<1x128xi32, #tpu.memory_space<vmem>> -> memref<128xi32, #tpu.memory_space<vmem>>
    %dma_start3A_72 = arith.constant 0 : i32
    %dma_start3A_73 = arith.constant 0 : i32
    %dma_start3A_74 = tpu.memref_slice %arg2[%dma_start3A_72, %dma_start3A_73] : memref<20000x128xf32, #tpu.memory_space<hbm>> -> memref<20000x128xf32, #tpu.memory_space<hbm>>
    tpu.enqueue_indirect_dma source(%dma_start3A_74 : memref<20000x128xf32, #tpu.memory_space<hbm>>) target(%arg11 : memref<128x128xf32, #tpu.memory_space<vmem>>) offsets(%dma_start3A_71 : memref<128xi32, #tpu.memory_space<vmem>>) semaphore(%arg14 : memref<!tpu.dma_semaphore, #tpu.memory_space<semaphore_mem>>)
    %scan3A_75 = arith.constant 0 : i32
    %scan3A_76 = arith.constant 15 : i32
    %scan3A_77 = arith.addi %scan3A_75, %scan3A_76 : i32
    %scan3A_78 = arith.constant 1 : i32
    scf.for %scan3A_416 = %scan3A_75 to %scan3A_77 step %scan3A_78  : i32 {
      %mul3A_417 = arith.constant 1 : i32
      %mul3A_418 = arith.muli %scan3A_416, %mul3A_417 : i32
      %add3A_419 = arith.constant 0 : i32
      %add3A_420 = arith.addi %add3A_419, %mul3A_418 : i32
      %mul3A_421 = arith.constant 2 : i32
      %mul3A_422 = arith.muli %mul3A_421, %add3A_420 : i32
      %dma_wait3A_423 = arith.constant 0 : i32
      %dma_wait3A_424 = arith.constant 0 : i32
      %dma_wait3A_425 = tpu.memref_slice %arg2[%dma_wait3A_423, %dma_wait3A_424] : memref<20000x128xf32, #tpu.memory_space<hbm>> -> memref<128x128xf32, #tpu.memory_space<hbm>>
      %dma_wait3A_426 = arith.constant 0 : i32
      %dma_wait3A_427 = arith.constant 0 : i32
      %dma_wait3A_428 = tpu.memref_slice %arg2[%dma_wait3A_426, %dma_wait3A_427] : memref<20000x128xf32, #tpu.memory_space<hbm>> -> memref<128x128xf32, #tpu.memory_space<hbm>>
      tpu.wait_dma2 semaphore(%arg14 : memref<!tpu.dma_semaphore, #tpu.memory_space<semaphore_mem>>) src(%dma_wait3A_428 : memref<128x128xf32, #tpu.memory_space<hbm>>) dst(%arg11 : memref<128x128xf32, #tpu.memory_space<vmem>>)
      %add3A_429 = arith.constant 1 : i32
      %add3A_430 = arith.addi %mul3A_422, %add3A_429 : i32
      %dma_start3A_431 = arith.constant 0 : i32
      %dma_start3A_432 = tpu.memref_slice %arg7[%add3A_430, %dma_start3A_431] : memref<32x128xi32, #tpu.memory_space<vmem>> -> memref<1x128xi32, #tpu.memory_space<vmem>>
      %dma_start3A_433 = tpu.memref_squeeze %dma_start3A_432 : memref<1x128xi32, #tpu.memory_space<vmem>> -> memref<128xi32, #tpu.memory_space<vmem>>
      %dma_start3A_434 = arith.constant 0 : i32
      %dma_start3A_435 = arith.constant 0 : i32
      %dma_start3A_436 = tpu.memref_slice %arg12[%dma_start3A_434, %dma_start3A_435] : memref<10112x128xf32, #tpu.memory_space<vmem_shared>> -> memref<10112x128xf32, #tpu.memory_space<vmem_shared>>
      tpu.enqueue_indirect_dma source(%arg11 : memref<128x128xf32, #tpu.memory_space<vmem>>) target(%dma_start3A_436 : memref<10112x128xf32, #tpu.memory_space<vmem_shared>>) offsets(%dma_start3A_433 : memref<128xi32, #tpu.memory_space<vmem>>) semaphore(%arg16 : memref<!tpu.dma_semaphore, #tpu.memory_space<semaphore_mem>>) {add = true}
      %dma_wait3A_437 = arith.constant 0 : i32
      %dma_wait3A_438 = arith.constant 0 : i32
      %dma_wait3A_439 = tpu.memref_slice %arg12[%dma_wait3A_437, %dma_wait3A_438] : memref<10112x128xf32, #tpu.memory_space<vmem_shared>> -> memref<128x128xf32, #tpu.memory_space<vmem_shared>>
      %dma_wait3A_440 = arith.constant 0 : i32
      %dma_wait3A_441 = arith.constant 0 : i32
      %dma_wait3A_442 = tpu.memref_slice %arg12[%dma_wait3A_440, %dma_wait3A_441] : memref<10112x128xf32, #tpu.memory_space<vmem_shared>> -> memref<128x128xf32, #tpu.memory_space<vmem_shared>>
      tpu.wait_dma2 semaphore(%arg15 : memref<!tpu.dma_semaphore, #tpu.memory_space<semaphore_mem>>) src(%arg10 : memref<128x128xf32, #tpu.memory_space<vmem>>) dst(%dma_wait3A_442 : memref<128x128xf32, #tpu.memory_space<vmem_shared>>)
      %add3A_443 = arith.constant 2 : i32
      %add3A_444 = arith.addi %mul3A_422, %add3A_443 : i32
      %dma_start3A_445 = arith.constant 0 : i32
      %dma_start3A_446 = tpu.memref_slice %arg6[%add3A_444, %dma_start3A_445] : memref<32x128xi32, #tpu.memory_space<vmem>> -> memref<1x128xi32, #tpu.memory_space<vmem>>
      %dma_start3A_447 = tpu.memref_squeeze %dma_start3A_446 : memref<1x128xi32, #tpu.memory_space<vmem>> -> memref<128xi32, #tpu.memory_space<vmem>>
      %dma_start3A_448 = arith.constant 0 : i32
      %dma_start3A_449 = arith.constant 0 : i32
      %dma_start3A_450 = tpu.memref_slice %arg2[%dma_start3A_448, %dma_start3A_449] : memref<20000x128xf32, #tpu.memory_space<hbm>> -> memref<20000x128xf32, #tpu.memory_space<hbm>>
      tpu.enqueue_indirect_dma source(%dma_start3A_450 : memref<20000x128xf32, #tpu.memory_space<hbm>>) target(%arg10 : memref<128x128xf32, #tpu.memory_space<vmem>>) offsets(%dma_start3A_447 : memref<128xi32, #tpu.memory_space<vmem>>) semaphore(%arg13 : memref<!tpu.dma_semaphore, #tpu.memory_space<semaphore_mem>>)
      %dma_wait3A_451 = arith.constant 0 : i32
      %dma_wait3A_452 = arith.constant 0 : i32
      %dma_wait3A_453 = tpu.memref_slice %arg2[%dma_wait3A_451, %dma_wait3A_452] : memref<20000x128xf32, #tpu.memory_space<hbm>> -> memref<128x128xf32, #tpu.memory_space<hbm>>
      %dma_wait3A_454 = arith.constant 0 : i32
      %dma_wait3A_455 = arith.constant 0 : i32
      %dma_wait3A_456 = tpu.memref_slice %arg2[%dma_wait3A_454, %dma_wait3A_455] : memref<20000x128xf32, #tpu.memory_space<hbm>> -> memref<128x128xf32, #tpu.memory_space<hbm>>
      tpu.wait_dma2 semaphore(%arg13 : memref<!tpu.dma_semaphore, #tpu.memory_space<semaphore_mem>>) src(%dma_wait3A_456 : memref<128x128xf32, #tpu.memory_space<hbm>>) dst(%arg10 : memref<128x128xf32, #tpu.memory_space<vmem>>)
      %add3A_457 = arith.constant 2 : i32
      %add3A_458 = arith.addi %mul3A_422, %add3A_457 : i32
      %dma_start3A_459 = arith.constant 0 : i32
      %dma_start3A_460 = tpu.memref_slice %arg7[%add3A_458, %dma_start3A_459] : memref<32x128xi32, #tpu.memory_space<vmem>> -> memref<1x128xi32, #tpu.memory_space<vmem>>
      %dma_start3A_461 = tpu.memref_squeeze %dma_start3A_460 : memref<1x128xi32, #tpu.memory_space<vmem>> -> memref<128xi32, #tpu.memory_space<vmem>>
      %dma_start3A_462 = arith.constant 0 : i32
      %dma_start3A_463 = arith.constant 0 : i32
      %dma_start3A_464 = tpu.memref_slice %arg12[%dma_start3A_462, %dma_start3A_463] : memref<10112x128xf32, #tpu.memory_space<vmem_shared>> -> memref<10112x128xf32, #tpu.memory_space<vmem_shared>>
      tpu.enqueue_indirect_dma source(%arg10 : memref<128x128xf32, #tpu.memory_space<vmem>>) target(%dma_start3A_464 : memref<10112x128xf32, #tpu.memory_space<vmem_shared>>) offsets(%dma_start3A_461 : memref<128xi32, #tpu.memory_space<vmem>>) semaphore(%arg15 : memref<!tpu.dma_semaphore, #tpu.memory_space<semaphore_mem>>) {add = true}
      %dma_wait3A_465 = arith.constant 0 : i32
      %dma_wait3A_466 = arith.constant 0 : i32
      %dma_wait3A_467 = tpu.memref_slice %arg12[%dma_wait3A_465, %dma_wait3A_466] : memref<10112x128xf32, #tpu.memory_space<vmem_shared>> -> memref<128x128xf32, #tpu.memory_space<vmem_shared>>
      %dma_wait3A_468 = arith.constant 0 : i32
      %dma_wait3A_469 = arith.constant 0 : i32
      %dma_wait3A_470 = tpu.memref_slice %arg12[%dma_wait3A_468, %dma_wait3A_469] : memref<10112x128xf32, #tpu.memory_space<vmem_shared>> -> memref<128x128xf32, #tpu.memory_space<vmem_shared>>
      tpu.wait_dma2 semaphore(%arg16 : memref<!tpu.dma_semaphore, #tpu.memory_space<semaphore_mem>>) src(%arg11 : memref<128x128xf32, #tpu.memory_space<vmem>>) dst(%dma_wait3A_470 : memref<128x128xf32, #tpu.memory_space<vmem_shared>>)
      %add3A_471 = arith.constant 3 : i32
      %add3A_472 = arith.addi %mul3A_422, %add3A_471 : i32
      %dma_start3A_473 = arith.constant 0 : i32
      %dma_start3A_474 = tpu.memref_slice %arg6[%add3A_472, %dma_start3A_473] : memref<32x128xi32, #tpu.memory_space<vmem>> -> memref<1x128xi32, #tpu.memory_space<vmem>>
      %dma_start3A_475 = tpu.memref_squeeze %dma_start3A_474 : memref<1x128xi32, #tpu.memory_space<vmem>> -> memref<128xi32, #tpu.memory_space<vmem>>
      %dma_start3A_476 = arith.constant 0 : i32
      %dma_start3A_477 = arith.constant 0 : i32
      %dma_start3A_478 = tpu.memref_slice %arg2[%dma_start3A_476, %dma_start3A_477] : memref<20000x128xf32, #tpu.memory_space<hbm>> -> memref<20000x128xf32, #tpu.memory_space<hbm>>
      tpu.enqueue_indirect_dma source(%dma_start3A_478 : memref<20000x128xf32, #tpu.memory_space<hbm>>) target(%arg11 : memref<128x128xf32, #tpu.memory_space<vmem>>) offsets(%dma_start3A_475 : memref<128xi32, #tpu.memory_space<vmem>>) semaphore(%arg14 : memref<!tpu.dma_semaphore, #tpu.memory_space<semaphore_mem>>)
    }
    %scan3A_79 = arith.constant 15 : i32
    %dma_wait3A_80 = arith.constant 0 : i32
    %dma_wait3A_81 = arith.constant 0 : i32
    %dma_wait3A_82 = tpu.memref_slice %arg2[%dma_wait3A_80, %dma_wait3A_81] : memref<20000x128xf32, #tpu.memory_space<hbm>> -> memref<128x128xf32, #tpu.memory_space<hbm>>
    %dma_wait3A_83 = arith.constant 0 : i32
    %dma_wait3A_84 = arith.constant 0 : i32
    %dma_wait3A_85 = tpu.memref_slice %arg2[%dma_wait3A_83, %dma_wait3A_84] : memref<20000x128xf32, #tpu.memory_space<hbm>> -> memref<128x128xf32, #tpu.memory_space<hbm>>
    tpu.wait_dma2 semaphore(%arg14 : memref<!tpu.dma_semaphore, #tpu.memory_space<semaphore_mem>>) src(%dma_wait3A_85 : memref<128x128xf32, #tpu.memory_space<hbm>>) dst(%arg11 : memref<128x128xf32, #tpu.memory_space<vmem>>)
    %dma_start3A_86 = arith.constant 31 : i32
    %dma_start3A_87 = arith.constant 0 : i32
    %dma_start3A_88 = tpu.memref_slice %arg7[%dma_start3A_86, %dma_start3A_87] : memref<32x128xi32, #tpu.memory_space<vmem>> -> memref<1x128xi32, #tpu.memory_space<vmem>>
    %dma_start3A_89 = tpu.memref_squeeze %dma_start3A_88 : memref<1x128xi32, #tpu.memory_space<vmem>> -> memref<128xi32, #tpu.memory_space<vmem>>
    %dma_start3A_90 = arith.constant 0 : i32
    %dma_start3A_91 = arith.constant 0 : i32
    %dma_start3A_92 = tpu.memref_slice %arg12[%dma_start3A_90, %dma_start3A_91] : memref<10112x128xf32, #tpu.memory_space<vmem_shared>> -> memref<10112x128xf32, #tpu.memory_space<vmem_shared>>
    tpu.enqueue_indirect_dma source(%arg11 : memref<128x128xf32, #tpu.memory_space<vmem>>) target(%dma_start3A_92 : memref<10112x128xf32, #tpu.memory_space<vmem_shared>>) offsets(%dma_start3A_89 : memref<128xi32, #tpu.memory_space<vmem>>) semaphore(%arg16 : memref<!tpu.dma_semaphore, #tpu.memory_space<semaphore_mem>>) {add = true}
    %dma_wait3A_93 = arith.constant 0 : i32
    %dma_wait3A_94 = arith.constant 0 : i32
    %dma_wait3A_95 = tpu.memref_slice %arg12[%dma_wait3A_93, %dma_wait3A_94] : memref<10112x128xf32, #tpu.memory_space<vmem_shared>> -> memref<128x128xf32, #tpu.memory_space<vmem_shared>>
    %dma_wait3A_96 = arith.constant 0 : i32
    %dma_wait3A_97 = arith.constant 0 : i32
    %dma_wait3A_98 = tpu.memref_slice %arg12[%dma_wait3A_96, %dma_wait3A_97] : memref<10112x128xf32, #tpu.memory_space<vmem_shared>> -> memref<128x128xf32, #tpu.memory_space<vmem_shared>>
    tpu.wait_dma2 semaphore(%arg15 : memref<!tpu.dma_semaphore, #tpu.memory_space<semaphore_mem>>) src(%arg10 : memref<128x128xf32, #tpu.memory_space<vmem>>) dst(%dma_wait3A_98 : memref<128x128xf32, #tpu.memory_space<vmem_shared>>)
    %dma_wait3A_99 = arith.constant 0 : i32
    %dma_wait3A_100 = arith.constant 0 : i32
    %dma_wait3A_101 = tpu.memref_slice %arg12[%dma_wait3A_99, %dma_wait3A_100] : memref<10112x128xf32, #tpu.memory_space<vmem_shared>> -> memref<128x128xf32, #tpu.memory_space<vmem_shared>>
    %dma_wait3A_102 = arith.constant 0 : i32
    %dma_wait3A_103 = arith.constant 0 : i32
    %dma_wait3A_104 = tpu.memref_slice %arg12[%dma_wait3A_102, %dma_wait3A_103] : memref<10112x128xf32, #tpu.memory_space<vmem_shared>> -> memref<128x128xf32, #tpu.memory_space<vmem_shared>>
    tpu.wait_dma2 semaphore(%arg16 : memref<!tpu.dma_semaphore, #tpu.memory_space<semaphore_mem>>) src(%arg11 : memref<128x128xf32, #tpu.memory_space<vmem>>) dst(%dma_wait3A_104 : memref<128x128xf32, #tpu.memory_space<vmem_shared>>)
    %dma_wait3A_105 = arith.constant 0 : i32
    %dma_wait3A_106 = arith.constant 0 : i32
    %dma_wait3A_107 = tpu.memref_slice %arg3[%dma_wait3A_105, %dma_wait3A_106] : memref<5120x128xi32, #tpu.memory_space<hbm>> -> memref<32x128xi32, #tpu.memory_space<hbm>>
    %dma_wait3A_108 = arith.constant 0 : i32
    %dma_wait3A_109 = arith.constant 0 : i32
    %dma_wait3A_110 = tpu.memref_slice %arg3[%dma_wait3A_108, %dma_wait3A_109] : memref<5120x128xi32, #tpu.memory_space<hbm>> -> memref<32x128xi32, #tpu.memory_space<hbm>>
    tpu.wait_dma2 semaphore(%arg17 : memref<!tpu.dma_semaphore, #tpu.memory_space<semaphore_mem>>) src(%dma_wait3A_110 : memref<32x128xi32, #tpu.memory_space<hbm>>) dst(%arg8 : memref<32x128xi32, #tpu.memory_space<vmem>>)
    %dma_wait3A_111 = arith.constant 0 : i32
    %dma_wait3A_112 = arith.constant 0 : i32
    %dma_wait3A_113 = tpu.memref_slice %arg3[%dma_wait3A_111, %dma_wait3A_112] : memref<5120x128xi32, #tpu.memory_space<hbm>> -> memref<32x128xi32, #tpu.memory_space<hbm>>
    %dma_wait3A_114 = arith.constant 0 : i32
    %dma_wait3A_115 = arith.constant 0 : i32
    %dma_wait3A_116 = tpu.memref_slice %arg3[%dma_wait3A_114, %dma_wait3A_115] : memref<5120x128xi32, #tpu.memory_space<hbm>> -> memref<32x128xi32, #tpu.memory_space<hbm>>
    tpu.wait_dma2 semaphore(%arg17 : memref<!tpu.dma_semaphore, #tpu.memory_space<semaphore_mem>>) src(%dma_wait3A_116 : memref<32x128xi32, #tpu.memory_space<hbm>>) dst(%arg9 : memref<32x128xi32, #tpu.memory_space<vmem>>)
    %add3A_117 = arith.constant 64 : i32
    %add3A_118 = arith.addi %add3A, %add3A_117 : i32
    %dma_start3A_119 = arith.constant 0 : i32
    %dma_start3A_120 = tpu.memref_slice %arg3[%add3A_118, %dma_start3A_119] : memref<5120x128xi32, #tpu.memory_space<hbm>> -> memref<32x128xi32, #tpu.memory_space<hbm>>
    %dma_start3A_121 = arith.constant 0 : i32
    %dma_start3A_122 = tpu.memref_slice %arg3[%add3A_118, %dma_start3A_121] : memref<5120x128xi32, #tpu.memory_space<hbm>> -> memref<32x128xi32, #tpu.memory_space<hbm>>
    tpu.enqueue_dma source(%dma_start3A_122 : memref<32x128xi32, #tpu.memory_space<hbm>>) target(%arg6 : memref<32x128xi32, #tpu.memory_space<vmem>>) target_semaphore(%arg17 : memref<!tpu.dma_semaphore, #tpu.memory_space<semaphore_mem>>)
    %dma_start3A_123 = arith.constant 0 : i32
    %dma_start3A_124 = tpu.memref_slice %arg4[%add3A_118, %dma_start3A_123] : memref<5120x128xi32, #tpu.memory_space<hbm>> -> memref<32x128xi32, #tpu.memory_space<hbm>>
    %dma_start3A_125 = arith.constant 0 : i32
    %dma_start3A_126 = tpu.memref_slice %arg4[%add3A_118, %dma_start3A_125] : memref<5120x128xi32, #tpu.memory_space<hbm>> -> memref<32x128xi32, #tpu.memory_space<hbm>>
    tpu.enqueue_dma source(%dma_start3A_126 : memref<32x128xi32, #tpu.memory_space<hbm>>) target(%arg7 : memref<32x128xi32, #tpu.memory_space<vmem>>) target_semaphore(%arg17 : memref<!tpu.dma_semaphore, #tpu.memory_space<semaphore_mem>>)
    %dma_start3A_127 = arith.constant 0 : i32
    %dma_start3A_128 = arith.constant 0 : i32
    %dma_start3A_129 = tpu.memref_slice %arg8[%dma_start3A_127, %dma_start3A_128] : memref<32x128xi32, #tpu.memory_space<vmem>> -> memref<1x128xi32, #tpu.memory_space<vmem>>
    %dma_start3A_130 = tpu.memref_squeeze %dma_start3A_129 : memref<1x128xi32, #tpu.memory_space<vmem>> -> memref<128xi32, #tpu.memory_space<vmem>>
    %dma_start3A_131 = arith.constant 0 : i32
    %dma_start3A_132 = arith.constant 0 : i32
    %dma_start3A_133 = tpu.memref_slice %arg2[%dma_start3A_131, %dma_start3A_132] : memref<20000x128xf32, #tpu.memory_space<hbm>> -> memref<20000x128xf32, #tpu.memory_space<hbm>>
    tpu.enqueue_indirect_dma source(%dma_start3A_133 : memref<20000x128xf32, #tpu.memory_space<hbm>>) target(%arg10 : memref<128x128xf32, #tpu.memory_space<vmem>>) offsets(%dma_start3A_130 : memref<128xi32, #tpu.memory_space<vmem>>) semaphore(%arg13 : memref<!tpu.dma_semaphore, #tpu.memory_space<semaphore_mem>>)
    %dma_wait3A_134 = arith.constant 0 : i32
    %dma_wait3A_135 = arith.constant 0 : i32
    %dma_wait3A_136 = tpu.memref_slice %arg2[%dma_wait3A_134, %dma_wait3A_135] : memref<20000x128xf32, #tpu.memory_space<hbm>> -> memref<128x128xf32, #tpu.memory_space<hbm>>
    %dma_wait3A_137 = arith.constant 0 : i32
    %dma_wait3A_138 = arith.constant 0 : i32
    %dma_wait3A_139 = tpu.memref_slice %arg2[%dma_wait3A_137, %dma_wait3A_138] : memref<20000x128xf32, #tpu.memory_space<hbm>> -> memref<128x128xf32, #tpu.memory_space<hbm>>
    tpu.wait_dma2 semaphore(%arg13 : memref<!tpu.dma_semaphore, #tpu.memory_space<semaphore_mem>>) src(%dma_wait3A_139 : memref<128x128xf32, #tpu.memory_space<hbm>>) dst(%arg10 : memref<128x128xf32, #tpu.memory_space<vmem>>)
    %dma_start3A_140 = arith.constant 0 : i32
    %dma_start3A_141 = arith.constant 0 : i32
    %dma_start3A_142 = tpu.memref_slice %arg9[%dma_start3A_140, %dma_start3A_141] : memref<32x128xi32, #tpu.memory_space<vmem>> -> memref<1x128xi32, #tpu.memory_space<vmem>>
    %dma_start3A_143 = tpu.memref_squeeze %dma_start3A_142 : memref<1x128xi32, #tpu.memory_space<vmem>> -> memref<128xi32, #tpu.memory_space<vmem>>
    %dma_start3A_144 = arith.constant 0 : i32
    %dma_start3A_145 = arith.constant 0 : i32
    %dma_start3A_146 = tpu.memref_slice %arg12[%dma_start3A_144, %dma_start3A_145] : memref<10112x128xf32, #tpu.memory_space<vmem_shared>> -> memref<10112x128xf32, #tpu.memory_space<vmem_shared>>
    tpu.enqueue_indirect_dma source(%arg10 : memref<128x128xf32, #tpu.memory_space<vmem>>) target(%dma_start3A_146 : memref<10112x128xf32, #tpu.memory_space<vmem_shared>>) offsets(%dma_start3A_143 : memref<128xi32, #tpu.memory_space<vmem>>) semaphore(%arg15 : memref<!tpu.dma_semaphore, #tpu.memory_space<semaphore_mem>>) {add = true}
    %dma_start3A_147 = arith.constant 1 : i32
    %dma_start3A_148 = arith.constant 0 : i32
    %dma_start3A_149 = tpu.memref_slice %arg8[%dma_start3A_147, %dma_start3A_148] : memref<32x128xi32, #tpu.memory_space<vmem>> -> memref<1x128xi32, #tpu.memory_space<vmem>>
    %dma_start3A_150 = tpu.memref_squeeze %dma_start3A_149 : memref<1x128xi32, #tpu.memory_space<vmem>> -> memref<128xi32, #tpu.memory_space<vmem>>
    %dma_start3A_151 = arith.constant 0 : i32
    %dma_start3A_152 = arith.constant 0 : i32
    %dma_start3A_153 = tpu.memref_slice %arg2[%dma_start3A_151, %dma_start3A_152] : memref<20000x128xf32, #tpu.memory_space<hbm>> -> memref<20000x128xf32, #tpu.memory_space<hbm>>
    tpu.enqueue_indirect_dma source(%dma_start3A_153 : memref<20000x128xf32, #tpu.memory_space<hbm>>) target(%arg11 : memref<128x128xf32, #tpu.memory_space<vmem>>) offsets(%dma_start3A_150 : memref<128xi32, #tpu.memory_space<vmem>>) semaphore(%arg14 : memref<!tpu.dma_semaphore, #tpu.memory_space<semaphore_mem>>)
    %scan3A_154 = arith.constant 0 : i32
    %scan3A_155 = arith.constant 15 : i32
    %scan3A_156 = arith.addi %scan3A_154, %scan3A_155 : i32
    %scan3A_157 = arith.constant 1 : i32
    scf.for %scan3A_416 = %scan3A_154 to %scan3A_156 step %scan3A_157  : i32 {
      %mul3A_417 = arith.constant 1 : i32
      %mul3A_418 = arith.muli %scan3A_416, %mul3A_417 : i32
      %add3A_419 = arith.constant 0 : i32
      %add3A_420 = arith.addi %add3A_419, %mul3A_418 : i32
      %mul3A_421 = arith.constant 2 : i32
      %mul3A_422 = arith.muli %mul3A_421, %add3A_420 : i32
      %dma_wait3A_423 = arith.constant 0 : i32
      %dma_wait3A_424 = arith.constant 0 : i32
      %dma_wait3A_425 = tpu.memref_slice %arg2[%dma_wait3A_423, %dma_wait3A_424] : memref<20000x128xf32, #tpu.memory_space<hbm>> -> memref<128x128xf32, #tpu.memory_space<hbm>>
      %dma_wait3A_426 = arith.constant 0 : i32
      %dma_wait3A_427 = arith.constant 0 : i32
      %dma_wait3A_428 = tpu.memref_slice %arg2[%dma_wait3A_426, %dma_wait3A_427] : memref<20000x128xf32, #tpu.memory_space<hbm>> -> memref<128x128xf32, #tpu.memory_space<hbm>>
      tpu.wait_dma2 semaphore(%arg14 : memref<!tpu.dma_semaphore, #tpu.memory_space<semaphore_mem>>) src(%dma_wait3A_428 : memref<128x128xf32, #tpu.memory_space<hbm>>) dst(%arg11 : memref<128x128xf32, #tpu.memory_space<vmem>>)
      %add3A_429 = arith.constant 1 : i32
      %add3A_430 = arith.addi %mul3A_422, %add3A_429 : i32
      %dma_start3A_431 = arith.constant 0 : i32
      %dma_start3A_432 = tpu.memref_slice %arg9[%add3A_430, %dma_start3A_431] : memref<32x128xi32, #tpu.memory_space<vmem>> -> memref<1x128xi32, #tpu.memory_space<vmem>>
      %dma_start3A_433 = tpu.memref_squeeze %dma_start3A_432 : memref<1x128xi32, #tpu.memory_space<vmem>> -> memref<128xi32, #tpu.memory_space<vmem>>
      %dma_start3A_434 = arith.constant 0 : i32
      %dma_start3A_435 = arith.constant 0 : i32
      %dma_start3A_436 = tpu.memref_slice %arg12[%dma_start3A_434, %dma_start3A_435] : memref<10112x128xf32, #tpu.memory_space<vmem_shared>> -> memref<10112x128xf32, #tpu.memory_space<vmem_shared>>
      tpu.enqueue_indirect_dma source(%arg11 : memref<128x128xf32, #tpu.memory_space<vmem>>) target(%dma_start3A_436 : memref<10112x128xf32, #tpu.memory_space<vmem_shared>>) offsets(%dma_start3A_433 : memref<128xi32, #tpu.memory_space<vmem>>) semaphore(%arg16 : memref<!tpu.dma_semaphore, #tpu.memory_space<semaphore_mem>>) {add = true}
      %dma_wait3A_437 = arith.constant 0 : i32
      %dma_wait3A_438 = arith.constant 0 : i32
      %dma_wait3A_439 = tpu.memref_slice %arg12[%dma_wait3A_437, %dma_wait3A_438] : memref<10112x128xf32, #tpu.memory_space<vmem_shared>> -> memref<128x128xf32, #tpu.memory_space<vmem_shared>>
      %dma_wait3A_440 = arith.constant 0 : i32
      %dma_wait3A_441 = arith.constant 0 : i32
      %dma_wait3A_442 = tpu.memref_slice %arg12[%dma_wait3A_440, %dma_wait3A_441] : memref<10112x128xf32, #tpu.memory_space<vmem_shared>> -> memref<128x128xf32, #tpu.memory_space<vmem_shared>>
      tpu.wait_dma2 semaphore(%arg15 : memref<!tpu.dma_semaphore, #tpu.memory_space<semaphore_mem>>) src(%arg10 : memref<128x128xf32, #tpu.memory_space<vmem>>) dst(%dma_wait3A_442 : memref<128x128xf32, #tpu.memory_space<vmem_shared>>)
      %add3A_443 = arith.constant 2 : i32
      %add3A_444 = arith.addi %mul3A_422, %add3A_443 : i32
      %dma_start3A_445 = arith.constant 0 : i32
      %dma_start3A_446 = tpu.memref_slice %arg8[%add3A_444, %dma_start3A_445] : memref<32x128xi32, #tpu.memory_space<vmem>> -> memref<1x128xi32, #tpu.memory_space<vmem>>
      %dma_start3A_447 = tpu.memref_squeeze %dma_start3A_446 : memref<1x128xi32, #tpu.memory_space<vmem>> -> memref<128xi32, #tpu.memory_space<vmem>>
      %dma_start3A_448 = arith.constant 0 : i32
      %dma_start3A_449 = arith.constant 0 : i32
      %dma_start3A_450 = tpu.memref_slice %arg2[%dma_start3A_448, %dma_start3A_449] : memref<20000x128xf32, #tpu.memory_space<hbm>> -> memref<20000x128xf32, #tpu.memory_space<hbm>>
      tpu.enqueue_indirect_dma source(%dma_start3A_450 : memref<20000x128xf32, #tpu.memory_space<hbm>>) target(%arg10 : memref<128x128xf32, #tpu.memory_space<vmem>>) offsets(%dma_start3A_447 : memref<128xi32, #tpu.memory_space<vmem>>) semaphore(%arg13 : memref<!tpu.dma_semaphore, #tpu.memory_space<semaphore_mem>>)
      %dma_wait3A_451 = arith.constant 0 : i32
      %dma_wait3A_452 = arith.constant 0 : i32
      %dma_wait3A_453 = tpu.memref_slice %arg2[%dma_wait3A_451, %dma_wait3A_452] : memref<20000x128xf32, #tpu.memory_space<hbm>> -> memref<128x128xf32, #tpu.memory_space<hbm>>
      %dma_wait3A_454 = arith.constant 0 : i32
      %dma_wait3A_455 = arith.constant 0 : i32
      %dma_wait3A_456 = tpu.memref_slice %arg2[%dma_wait3A_454, %dma_wait3A_455] : memref<20000x128xf32, #tpu.memory_space<hbm>> -> memref<128x128xf32, #tpu.memory_space<hbm>>
      tpu.wait_dma2 semaphore(%arg13 : memref<!tpu.dma_semaphore, #tpu.memory_space<semaphore_mem>>) src(%dma_wait3A_456 : memref<128x128xf32, #tpu.memory_space<hbm>>) dst(%arg10 : memref<128x128xf32, #tpu.memory_space<vmem>>)
      %add3A_457 = arith.constant 2 : i32
      %add3A_458 = arith.addi %mul3A_422, %add3A_457 : i32
      %dma_start3A_459 = arith.constant 0 : i32
      %dma_start3A_460 = tpu.memref_slice %arg9[%add3A_458, %dma_start3A_459] : memref<32x128xi32, #tpu.memory_space<vmem>> -> memref<1x128xi32, #tpu.memory_space<vmem>>
      %dma_start3A_461 = tpu.memref_squeeze %dma_start3A_460 : memref<1x128xi32, #tpu.memory_space<vmem>> -> memref<128xi32, #tpu.memory_space<vmem>>
      %dma_start3A_462 = arith.constant 0 : i32
      %dma_start3A_463 = arith.constant 0 : i32
      %dma_start3A_464 = tpu.memref_slice %arg12[%dma_start3A_462, %dma_start3A_463] : memref<10112x128xf32, #tpu.memory_space<vmem_shared>> -> memref<10112x128xf32, #tpu.memory_space<vmem_shared>>
      tpu.enqueue_indirect_dma source(%arg10 : memref<128x128xf32, #tpu.memory_space<vmem>>) target(%dma_start3A_464 : memref<10112x128xf32, #tpu.memory_space<vmem_shared>>) offsets(%dma_start3A_461 : memref<128xi32, #tpu.memory_space<vmem>>) semaphore(%arg15 : memref<!tpu.dma_semaphore, #tpu.memory_space<semaphore_mem>>) {add = true}
      %dma_wait3A_465 = arith.constant 0 : i32
      %dma_wait3A_466 = arith.constant 0 : i32
      %dma_wait3A_467 = tpu.memref_slice %arg12[%dma_wait3A_465, %dma_wait3A_466] : memref<10112x128xf32, #tpu.memory_space<vmem_shared>> -> memref<128x128xf32, #tpu.memory_space<vmem_shared>>
      %dma_wait3A_468 = arith.constant 0 : i32
      %dma_wait3A_469 = arith.constant 0 : i32
      %dma_wait3A_470 = tpu.memref_slice %arg12[%dma_wait3A_468, %dma_wait3A_469] : memref<10112x128xf32, #tpu.memory_space<vmem_shared>> -> memref<128x128xf32, #tpu.memory_space<vmem_shared>>
      tpu.wait_dma2 semaphore(%arg16 : memref<!tpu.dma_semaphore, #tpu.memory_space<semaphore_mem>>) src(%arg11 : memref<128x128xf32, #tpu.memory_space<vmem>>) dst(%dma_wait3A_470 : memref<128x128xf32, #tpu.memory_space<vmem_shared>>)
      %add3A_471 = arith.constant 3 : i32
      %add3A_472 = arith.addi %mul3A_422, %add3A_471 : i32
      %dma_start3A_473 = arith.constant 0 : i32
      %dma_start3A_474 = tpu.memref_slice %arg8[%add3A_472, %dma_start3A_473] : memref<32x128xi32, #tpu.memory_space<vmem>> -> memref<1x128xi32, #tpu.memory_space<vmem>>
      %dma_start3A_475 = tpu.memref_squeeze %dma_start3A_474 : memref<1x128xi32, #tpu.memory_space<vmem>> -> memref<128xi32, #tpu.memory_space<vmem>>
      %dma_start3A_476 = arith.constant 0 : i32
      %dma_start3A_477 = arith.constant 0 : i32
      %dma_start3A_478 = tpu.memref_slice %arg2[%dma_start3A_476, %dma_start3A_477] : memref<20000x128xf32, #tpu.memory_space<hbm>> -> memref<20000x128xf32, #tpu.memory_space<hbm>>
      tpu.enqueue_indirect_dma source(%dma_start3A_478 : memref<20000x128xf32, #tpu.memory_space<hbm>>) target(%arg11 : memref<128x128xf32, #tpu.memory_space<vmem>>) offsets(%dma_start3A_475 : memref<128xi32, #tpu.memory_space<vmem>>) semaphore(%arg14 : memref<!tpu.dma_semaphore, #tpu.memory_space<semaphore_mem>>)
    }
    %scan3A_158 = arith.constant 15 : i32
    %dma_wait3A_159 = arith.constant 0 : i32
    %dma_wait3A_160 = arith.constant 0 : i32
    %dma_wait3A_161 = tpu.memref_slice %arg2[%dma_wait3A_159, %dma_wait3A_160] : memref<20000x128xf32, #tpu.memory_space<hbm>> -> memref<128x128xf32, #tpu.memory_space<hbm>>
    %dma_wait3A_162 = arith.constant 0 : i32
    %dma_wait3A_163 = arith.constant 0 : i32
    %dma_wait3A_164 = tpu.memref_slice %arg2[%dma_wait3A_162, %dma_wait3A_163] : memref<20000x128xf32, #tpu.memory_space<hbm>> -> memref<128x128xf32, #tpu.memory_space<hbm>>
    tpu.wait_dma2 semaphore(%arg14 : memref<!tpu.dma_semaphore, #tpu.memory_space<semaphore_mem>>) src(%dma_wait3A_164 : memref<128x128xf32, #tpu.memory_space<hbm>>) dst(%arg11 : memref<128x128xf32, #tpu.memory_space<vmem>>)
    %dma_start3A_165 = arith.constant 31 : i32
    %dma_start3A_166 = arith.constant 0 : i32
    %dma_start3A_167 = tpu.memref_slice %arg9[%dma_start3A_165, %dma_start3A_166] : memref<32x128xi32, #tpu.memory_space<vmem>> -> memref<1x128xi32, #tpu.memory_space<vmem>>
    %dma_start3A_168 = tpu.memref_squeeze %dma_start3A_167 : memref<1x128xi32, #tpu.memory_space<vmem>> -> memref<128xi32, #tpu.memory_space<vmem>>
    %dma_start3A_169 = arith.constant 0 : i32
    %dma_start3A_170 = arith.constant 0 : i32
    %dma_start3A_171 = tpu.memref_slice %arg12[%dma_start3A_169, %dma_start3A_170] : memref<10112x128xf32, #tpu.memory_space<vmem_shared>> -> memref<10112x128xf32, #tpu.memory_space<vmem_shared>>
    tpu.enqueue_indirect_dma source(%arg11 : memref<128x128xf32, #tpu.memory_space<vmem>>) target(%dma_start3A_171 : memref<10112x128xf32, #tpu.memory_space<vmem_shared>>) offsets(%dma_start3A_168 : memref<128xi32, #tpu.memory_space<vmem>>) semaphore(%arg16 : memref<!tpu.dma_semaphore, #tpu.memory_space<semaphore_mem>>) {add = true}
    %dma_wait3A_172 = arith.constant 0 : i32
    %dma_wait3A_173 = arith.constant 0 : i32
    %dma_wait3A_174 = tpu.memref_slice %arg12[%dma_wait3A_172, %dma_wait3A_173] : memref<10112x128xf32, #tpu.memory_space<vmem_shared>> -> memref<128x128xf32, #tpu.memory_space<vmem_shared>>
    %dma_wait3A_175 = arith.constant 0 : i32
    %dma_wait3A_176 = arith.constant 0 : i32
    %dma_wait3A_177 = tpu.memref_slice %arg12[%dma_wait3A_175, %dma_wait3A_176] : memref<10112x128xf32, #tpu.memory_space<vmem_shared>> -> memref<128x128xf32, #tpu.memory_space<vmem_shared>>
    tpu.wait_dma2 semaphore(%arg15 : memref<!tpu.dma_semaphore, #tpu.memory_space<semaphore_mem>>) src(%arg10 : memref<128x128xf32, #tpu.memory_space<vmem>>) dst(%dma_wait3A_177 : memref<128x128xf32, #tpu.memory_space<vmem_shared>>)
    %dma_wait3A_178 = arith.constant 0 : i32
    %dma_wait3A_179 = arith.constant 0 : i32
    %dma_wait3A_180 = tpu.memref_slice %arg12[%dma_wait3A_178, %dma_wait3A_179] : memref<10112x128xf32, #tpu.memory_space<vmem_shared>> -> memref<128x128xf32, #tpu.memory_space<vmem_shared>>
    %dma_wait3A_181 = arith.constant 0 : i32
    %dma_wait3A_182 = arith.constant 0 : i32
    %dma_wait3A_183 = tpu.memref_slice %arg12[%dma_wait3A_181, %dma_wait3A_182] : memref<10112x128xf32, #tpu.memory_space<vmem_shared>> -> memref<128x128xf32, #tpu.memory_space<vmem_shared>>
    tpu.wait_dma2 semaphore(%arg16 : memref<!tpu.dma_semaphore, #tpu.memory_space<semaphore_mem>>) src(%arg11 : memref<128x128xf32, #tpu.memory_space<vmem>>) dst(%dma_wait3A_183 : memref<128x128xf32, #tpu.memory_space<vmem_shared>>)
    %dma_wait3A_184 = arith.constant 0 : i32
    %dma_wait3A_185 = arith.constant 0 : i32
    %dma_wait3A_186 = tpu.memref_slice %arg3[%dma_wait3A_184, %dma_wait3A_185] : memref<5120x128xi32, #tpu.memory_space<hbm>> -> memref<32x128xi32, #tpu.memory_space<hbm>>
    %dma_wait3A_187 = arith.constant 0 : i32
    %dma_wait3A_188 = arith.constant 0 : i32
    %dma_wait3A_189 = tpu.memref_slice %arg3[%dma_wait3A_187, %dma_wait3A_188] : memref<5120x128xi32, #tpu.memory_space<hbm>> -> memref<32x128xi32, #tpu.memory_space<hbm>>
    tpu.wait_dma2 semaphore(%arg17 : memref<!tpu.dma_semaphore, #tpu.memory_space<semaphore_mem>>) src(%dma_wait3A_189 : memref<32x128xi32, #tpu.memory_space<hbm>>) dst(%arg6 : memref<32x128xi32, #tpu.memory_space<vmem>>)
    %dma_wait3A_190 = arith.constant 0 : i32
    %dma_wait3A_191 = arith.constant 0 : i32
    %dma_wait3A_192 = tpu.memref_slice %arg3[%dma_wait3A_190, %dma_wait3A_191] : memref<5120x128xi32, #tpu.memory_space<hbm>> -> memref<32x128xi32, #tpu.memory_space<hbm>>
    %dma_wait3A_193 = arith.constant 0 : i32
    %dma_wait3A_194 = arith.constant 0 : i32
    %dma_wait3A_195 = tpu.memref_slice %arg3[%dma_wait3A_193, %dma_wait3A_194] : memref<5120x128xi32, #tpu.memory_space<hbm>> -> memref<32x128xi32, #tpu.memory_space<hbm>>
    tpu.wait_dma2 semaphore(%arg17 : memref<!tpu.dma_semaphore, #tpu.memory_space<semaphore_mem>>) src(%dma_wait3A_195 : memref<32x128xi32, #tpu.memory_space<hbm>>) dst(%arg7 : memref<32x128xi32, #tpu.memory_space<vmem>>)
    %add3A_196 = arith.constant 96 : i32
    %add3A_197 = arith.addi %add3A, %add3A_196 : i32
    %dma_start3A_198 = arith.constant 0 : i32
    %dma_start3A_199 = tpu.memref_slice %arg3[%add3A_197, %dma_start3A_198] : memref<5120x128xi32, #tpu.memory_space<hbm>> -> memref<32x128xi32, #tpu.memory_space<hbm>>
    %dma_start3A_200 = arith.constant 0 : i32
    %dma_start3A_201 = tpu.memref_slice %arg3[%add3A_197, %dma_start3A_200] : memref<5120x128xi32, #tpu.memory_space<hbm>> -> memref<32x128xi32, #tpu.memory_space<hbm>>
    tpu.enqueue_dma source(%dma_start3A_201 : memref<32x128xi32, #tpu.memory_space<hbm>>) target(%arg8 : memref<32x128xi32, #tpu.memory_space<vmem>>) target_semaphore(%arg17 : memref<!tpu.dma_semaphore, #tpu.memory_space<semaphore_mem>>)
    %dma_start3A_202 = arith.constant 0 : i32
    %dma_start3A_203 = tpu.memref_slice %arg4[%add3A_197, %dma_start3A_202] : memref<5120x128xi32, #tpu.memory_space<hbm>> -> memref<32x128xi32, #tpu.memory_space<hbm>>
    %dma_start3A_204 = arith.constant 0 : i32
    %dma_start3A_205 = tpu.memref_slice %arg4[%add3A_197, %dma_start3A_204] : memref<5120x128xi32, #tpu.memory_space<hbm>> -> memref<32x128xi32, #tpu.memory_space<hbm>>
    tpu.enqueue_dma source(%dma_start3A_205 : memref<32x128xi32, #tpu.memory_space<hbm>>) target(%arg9 : memref<32x128xi32, #tpu.memory_space<vmem>>) target_semaphore(%arg17 : memref<!tpu.dma_semaphore, #tpu.memory_space<semaphore_mem>>)
    %dma_start3A_206 = arith.constant 0 : i32
    %dma_start3A_207 = arith.constant 0 : i32
    %dma_start3A_208 = tpu.memref_slice %arg6[%dma_start3A_206, %dma_start3A_207] : memref<32x128xi32, #tpu.memory_space<vmem>> -> memref<1x128xi32, #tpu.memory_space<vmem>>
    %dma_start3A_209 = tpu.memref_squeeze %dma_start3A_208 : memref<1x128xi32, #tpu.memory_space<vmem>> -> memref<128xi32, #tpu.memory_space<vmem>>
    %dma_start3A_210 = arith.constant 0 : i32
    %dma_start3A_211 = arith.constant 0 : i32
    %dma_start3A_212 = tpu.memref_slice %arg2[%dma_start3A_210, %dma_start3A_211] : memref<20000x128xf32, #tpu.memory_space<hbm>> -> memref<20000x128xf32, #tpu.memory_space<hbm>>
    tpu.enqueue_indirect_dma source(%dma_start3A_212 : memref<20000x128xf32, #tpu.memory_space<hbm>>) target(%arg10 : memref<128x128xf32, #tpu.memory_space<vmem>>) offsets(%dma_start3A_209 : memref<128xi32, #tpu.memory_space<vmem>>) semaphore(%arg13 : memref<!tpu.dma_semaphore, #tpu.memory_space<semaphore_mem>>)
    %dma_wait3A_213 = arith.constant 0 : i32
    %dma_wait3A_214 = arith.constant 0 : i32
    %dma_wait3A_215 = tpu.memref_slice %arg2[%dma_wait3A_213, %dma_wait3A_214] : memref<20000x128xf32, #tpu.memory_space<hbm>> -> memref<128x128xf32, #tpu.memory_space<hbm>>
    %dma_wait3A_216 = arith.constant 0 : i32
    %dma_wait3A_217 = arith.constant 0 : i32
    %dma_wait3A_218 = tpu.memref_slice %arg2[%dma_wait3A_216, %dma_wait3A_217] : memref<20000x128xf32, #tpu.memory_space<hbm>> -> memref<128x128xf32, #tpu.memory_space<hbm>>
    tpu.wait_dma2 semaphore(%arg13 : memref<!tpu.dma_semaphore, #tpu.memory_space<semaphore_mem>>) src(%dma_wait3A_218 : memref<128x128xf32, #tpu.memory_space<hbm>>) dst(%arg10 : memref<128x128xf32, #tpu.memory_space<vmem>>)
    %dma_start3A_219 = arith.constant 0 : i32
    %dma_start3A_220 = arith.constant 0 : i32
    %dma_start3A_221 = tpu.memref_slice %arg7[%dma_start3A_219, %dma_start3A_220] : memref<32x128xi32, #tpu.memory_space<vmem>> -> memref<1x128xi32, #tpu.memory_space<vmem>>
    %dma_start3A_222 = tpu.memref_squeeze %dma_start3A_221 : memref<1x128xi32, #tpu.memory_space<vmem>> -> memref<128xi32, #tpu.memory_space<vmem>>
    %dma_start3A_223 = arith.constant 0 : i32
    %dma_start3A_224 = arith.constant 0 : i32
    %dma_start3A_225 = tpu.memref_slice %arg12[%dma_start3A_223, %dma_start3A_224] : memref<10112x128xf32, #tpu.memory_space<vmem_shared>> -> memref<10112x128xf32, #tpu.memory_space<vmem_shared>>
    tpu.enqueue_indirect_dma source(%arg10 : memref<128x128xf32, #tpu.memory_space<vmem>>) target(%dma_start3A_225 : memref<10112x128xf32, #tpu.memory_space<vmem_shared>>) offsets(%dma_start3A_222 : memref<128xi32, #tpu.memory_space<vmem>>) semaphore(%arg15 : memref<!tpu.dma_semaphore, #tpu.memory_space<semaphore_mem>>) {add = true}
    %dma_start3A_226 = arith.constant 1 : i32
    %dma_start3A_227 = arith.constant 0 : i32
    %dma_start3A_228 = tpu.memref_slice %arg6[%dma_start3A_226, %dma_start3A_227] : memref<32x128xi32, #tpu.memory_space<vmem>> -> memref<1x128xi32, #tpu.memory_space<vmem>>
    %dma_start3A_229 = tpu.memref_squeeze %dma_start3A_228 : memref<1x128xi32, #tpu.memory_space<vmem>> -> memref<128xi32, #tpu.memory_space<vmem>>
    %dma_start3A_230 = arith.constant 0 : i32
    %dma_start3A_231 = arith.constant 0 : i32
    %dma_start3A_232 = tpu.memref_slice %arg2[%dma_start3A_230, %dma_start3A_231] : memref<20000x128xf32, #tpu.memory_space<hbm>> -> memref<20000x128xf32, #tpu.memory_space<hbm>>
    tpu.enqueue_indirect_dma source(%dma_start3A_232 : memref<20000x128xf32, #tpu.memory_space<hbm>>) target(%arg11 : memref<128x128xf32, #tpu.memory_space<vmem>>) offsets(%dma_start3A_229 : memref<128xi32, #tpu.memory_space<vmem>>) semaphore(%arg14 : memref<!tpu.dma_semaphore, #tpu.memory_space<semaphore_mem>>)
    %scan3A_233 = arith.constant 0 : i32
    %scan3A_234 = arith.constant 15 : i32
    %scan3A_235 = arith.addi %scan3A_233, %scan3A_234 : i32
    %scan3A_236 = arith.constant 1 : i32
    scf.for %scan3A_416 = %scan3A_233 to %scan3A_235 step %scan3A_236  : i32 {
      %mul3A_417 = arith.constant 1 : i32
      %mul3A_418 = arith.muli %scan3A_416, %mul3A_417 : i32
      %add3A_419 = arith.constant 0 : i32
      %add3A_420 = arith.addi %add3A_419, %mul3A_418 : i32
      %mul3A_421 = arith.constant 2 : i32
      %mul3A_422 = arith.muli %mul3A_421, %add3A_420 : i32
      %dma_wait3A_423 = arith.constant 0 : i32
      %dma_wait3A_424 = arith.constant 0 : i32
      %dma_wait3A_425 = tpu.memref_slice %arg2[%dma_wait3A_423, %dma_wait3A_424] : memref<20000x128xf32, #tpu.memory_space<hbm>> -> memref<128x128xf32, #tpu.memory_space<hbm>>
      %dma_wait3A_426 = arith.constant 0 : i32
      %dma_wait3A_427 = arith.constant 0 : i32
      %dma_wait3A_428 = tpu.memref_slice %arg2[%dma_wait3A_426, %dma_wait3A_427] : memref<20000x128xf32, #tpu.memory_space<hbm>> -> memref<128x128xf32, #tpu.memory_space<hbm>>
      tpu.wait_dma2 semaphore(%arg14 : memref<!tpu.dma_semaphore, #tpu.memory_space<semaphore_mem>>) src(%dma_wait3A_428 : memref<128x128xf32, #tpu.memory_space<hbm>>) dst(%arg11 : memref<128x128xf32, #tpu.memory_space<vmem>>)
      %add3A_429 = arith.constant 1 : i32
      %add3A_430 = arith.addi %mul3A_422, %add3A_429 : i32
      %dma_start3A_431 = arith.constant 0 : i32
      %dma_start3A_432 = tpu.memref_slice %arg7[%add3A_430, %dma_start3A_431] : memref<32x128xi32, #tpu.memory_space<vmem>> -> memref<1x128xi32, #tpu.memory_space<vmem>>
      %dma_start3A_433 = tpu.memref_squeeze %dma_start3A_432 : memref<1x128xi32, #tpu.memory_space<vmem>> -> memref<128xi32, #tpu.memory_space<vmem>>
      %dma_start3A_434 = arith.constant 0 : i32
      %dma_start3A_435 = arith.constant 0 : i32
      %dma_start3A_436 = tpu.memref_slice %arg12[%dma_start3A_434, %dma_start3A_435] : memref<10112x128xf32, #tpu.memory_space<vmem_shared>> -> memref<10112x128xf32, #tpu.memory_space<vmem_shared>>
      tpu.enqueue_indirect_dma source(%arg11 : memref<128x128xf32, #tpu.memory_space<vmem>>) target(%dma_start3A_436 : memref<10112x128xf32, #tpu.memory_space<vmem_shared>>) offsets(%dma_start3A_433 : memref<128xi32, #tpu.memory_space<vmem>>) semaphore(%arg16 : memref<!tpu.dma_semaphore, #tpu.memory_space<semaphore_mem>>) {add = true}
      %dma_wait3A_437 = arith.constant 0 : i32
      %dma_wait3A_438 = arith.constant 0 : i32
      %dma_wait3A_439 = tpu.memref_slice %arg12[%dma_wait3A_437, %dma_wait3A_438] : memref<10112x128xf32, #tpu.memory_space<vmem_shared>> -> memref<128x128xf32, #tpu.memory_space<vmem_shared>>
      %dma_wait3A_440 = arith.constant 0 : i32
      %dma_wait3A_441 = arith.constant 0 : i32
      %dma_wait3A_442 = tpu.memref_slice %arg12[%dma_wait3A_440, %dma_wait3A_441] : memref<10112x128xf32, #tpu.memory_space<vmem_shared>> -> memref<128x128xf32, #tpu.memory_space<vmem_shared>>
      tpu.wait_dma2 semaphore(%arg15 : memref<!tpu.dma_semaphore, #tpu.memory_space<semaphore_mem>>) src(%arg10 : memref<128x128xf32, #tpu.memory_space<vmem>>) dst(%dma_wait3A_442 : memref<128x128xf32, #tpu.memory_space<vmem_shared>>)
      %add3A_443 = arith.constant 2 : i32
      %add3A_444 = arith.addi %mul3A_422, %add3A_443 : i32
      %dma_start3A_445 = arith.constant 0 : i32
      %dma_start3A_446 = tpu.memref_slice %arg6[%add3A_444, %dma_start3A_445] : memref<32x128xi32, #tpu.memory_space<vmem>> -> memref<1x128xi32, #tpu.memory_space<vmem>>
      %dma_start3A_447 = tpu.memref_squeeze %dma_start3A_446 : memref<1x128xi32, #tpu.memory_space<vmem>> -> memref<128xi32, #tpu.memory_space<vmem>>
      %dma_start3A_448 = arith.constant 0 : i32
      %dma_start3A_449 = arith.constant 0 : i32
      %dma_start3A_450 = tpu.memref_slice %arg2[%dma_start3A_448, %dma_start3A_449] : memref<20000x128xf32, #tpu.memory_space<hbm>> -> memref<20000x128xf32, #tpu.memory_space<hbm>>
      tpu.enqueue_indirect_dma source(%dma_start3A_450 : memref<20000x128xf32, #tpu.memory_space<hbm>>) target(%arg10 : memref<128x128xf32, #tpu.memory_space<vmem>>) offsets(%dma_start3A_447 : memref<128xi32, #tpu.memory_space<vmem>>) semaphore(%arg13 : memref<!tpu.dma_semaphore, #tpu.memory_space<semaphore_mem>>)
      %dma_wait3A_451 = arith.constant 0 : i32
      %dma_wait3A_452 = arith.constant 0 : i32
      %dma_wait3A_453 = tpu.memref_slice %arg2[%dma_wait3A_451, %dma_wait3A_452] : memref<20000x128xf32, #tpu.memory_space<hbm>> -> memref<128x128xf32, #tpu.memory_space<hbm>>
      %dma_wait3A_454 = arith.constant 0 : i32
      %dma_wait3A_455 = arith.constant 0 : i32
      %dma_wait3A_456 = tpu.memref_slice %arg2[%dma_wait3A_454, %dma_wait3A_455] : memref<20000x128xf32, #tpu.memory_space<hbm>> -> memref<128x128xf32, #tpu.memory_space<hbm>>
      tpu.wait_dma2 semaphore(%arg13 : memref<!tpu.dma_semaphore, #tpu.memory_space<semaphore_mem>>) src(%dma_wait3A_456 : memref<128x128xf32, #tpu.memory_space<hbm>>) dst(%arg10 : memref<128x128xf32, #tpu.memory_space<vmem>>)
      %add3A_457 = arith.constant 2 : i32
      %add3A_458 = arith.addi %mul3A_422, %add3A_457 : i32
      %dma_start3A_459 = arith.constant 0 : i32
      %dma_start3A_460 = tpu.memref_slice %arg7[%add3A_458, %dma_start3A_459] : memref<32x128xi32, #tpu.memory_space<vmem>> -> memref<1x128xi32, #tpu.memory_space<vmem>>
      %dma_start3A_461 = tpu.memref_squeeze %dma_start3A_460 : memref<1x128xi32, #tpu.memory_space<vmem>> -> memref<128xi32, #tpu.memory_space<vmem>>
      %dma_start3A_462 = arith.constant 0 : i32
      %dma_start3A_463 = arith.constant 0 : i32
      %dma_start3A_464 = tpu.memref_slice %arg12[%dma_start3A_462, %dma_start3A_463] : memref<10112x128xf32, #tpu.memory_space<vmem_shared>> -> memref<10112x128xf32, #tpu.memory_space<vmem_shared>>
      tpu.enqueue_indirect_dma source(%arg10 : memref<128x128xf32, #tpu.memory_space<vmem>>) target(%dma_start3A_464 : memref<10112x128xf32, #tpu.memory_space<vmem_shared>>) offsets(%dma_start3A_461 : memref<128xi32, #tpu.memory_space<vmem>>) semaphore(%arg15 : memref<!tpu.dma_semaphore, #tpu.memory_space<semaphore_mem>>) {add = true}
      %dma_wait3A_465 = arith.constant 0 : i32
      %dma_wait3A_466 = arith.constant 0 : i32
      %dma_wait3A_467 = tpu.memref_slice %arg12[%dma_wait3A_465, %dma_wait3A_466] : memref<10112x128xf32, #tpu.memory_space<vmem_shared>> -> memref<128x128xf32, #tpu.memory_space<vmem_shared>>
      %dma_wait3A_468 = arith.constant 0 : i32
      %dma_wait3A_469 = arith.constant 0 : i32
      %dma_wait3A_470 = tpu.memref_slice %arg12[%dma_wait3A_468, %dma_wait3A_469] : memref<10112x128xf32, #tpu.memory_space<vmem_shared>> -> memref<128x128xf32, #tpu.memory_space<vmem_shared>>
      tpu.wait_dma2 semaphore(%arg16 : memref<!tpu.dma_semaphore, #tpu.memory_space<semaphore_mem>>) src(%arg11 : memref<128x128xf32, #tpu.memory_space<vmem>>) dst(%dma_wait3A_470 : memref<128x128xf32, #tpu.memory_space<vmem_shared>>)
      %add3A_471 = arith.constant 3 : i32
      %add3A_472 = arith.addi %mul3A_422, %add3A_471 : i32
      %dma_start3A_473 = arith.constant 0 : i32
      %dma_start3A_474 = tpu.memref_slice %arg6[%add3A_472, %dma_start3A_473] : memref<32x128xi32, #tpu.memory_space<vmem>> -> memref<1x128xi32, #tpu.memory_space<vmem>>
      %dma_start3A_475 = tpu.memref_squeeze %dma_start3A_474 : memref<1x128xi32, #tpu.memory_space<vmem>> -> memref<128xi32, #tpu.memory_space<vmem>>
      %dma_start3A_476 = arith.constant 0 : i32
      %dma_start3A_477 = arith.constant 0 : i32
      %dma_start3A_478 = tpu.memref_slice %arg2[%dma_start3A_476, %dma_start3A_477] : memref<20000x128xf32, #tpu.memory_space<hbm>> -> memref<20000x128xf32, #tpu.memory_space<hbm>>
      tpu.enqueue_indirect_dma source(%dma_start3A_478 : memref<20000x128xf32, #tpu.memory_space<hbm>>) target(%arg11 : memref<128x128xf32, #tpu.memory_space<vmem>>) offsets(%dma_start3A_475 : memref<128xi32, #tpu.memory_space<vmem>>) semaphore(%arg14 : memref<!tpu.dma_semaphore, #tpu.memory_space<semaphore_mem>>)
    }
    %scan3A_237 = arith.constant 15 : i32
    %dma_wait3A_238 = arith.constant 0 : i32
    %dma_wait3A_239 = arith.constant 0 : i32
    %dma_wait3A_240 = tpu.memref_slice %arg2[%dma_wait3A_238, %dma_wait3A_239] : memref<20000x128xf32, #tpu.memory_space<hbm>> -> memref<128x128xf32, #tpu.memory_space<hbm>>
    %dma_wait3A_241 = arith.constant 0 : i32
    %dma_wait3A_242 = arith.constant 0 : i32
    %dma_wait3A_243 = tpu.memref_slice %arg2[%dma_wait3A_241, %dma_wait3A_242] : memref<20000x128xf32, #tpu.memory_space<hbm>> -> memref<128x128xf32, #tpu.memory_space<hbm>>
    tpu.wait_dma2 semaphore(%arg14 : memref<!tpu.dma_semaphore, #tpu.memory_space<semaphore_mem>>) src(%dma_wait3A_243 : memref<128x128xf32, #tpu.memory_space<hbm>>) dst(%arg11 : memref<128x128xf32, #tpu.memory_space<vmem>>)
    %dma_start3A_244 = arith.constant 31 : i32
    %dma_start3A_245 = arith.constant 0 : i32
    %dma_start3A_246 = tpu.memref_slice %arg7[%dma_start3A_244, %dma_start3A_245] : memref<32x128xi32, #tpu.memory_space<vmem>> -> memref<1x128xi32, #tpu.memory_space<vmem>>
    %dma_start3A_247 = tpu.memref_squeeze %dma_start3A_246 : memref<1x128xi32, #tpu.memory_space<vmem>> -> memref<128xi32, #tpu.memory_space<vmem>>
    %dma_start3A_248 = arith.constant 0 : i32
    %dma_start3A_249 = arith.constant 0 : i32
    %dma_start3A_250 = tpu.memref_slice %arg12[%dma_start3A_248, %dma_start3A_249] : memref<10112x128xf32, #tpu.memory_space<vmem_shared>> -> memref<10112x128xf32, #tpu.memory_space<vmem_shared>>
    tpu.enqueue_indirect_dma source(%arg11 : memref<128x128xf32, #tpu.memory_space<vmem>>) target(%dma_start3A_250 : memref<10112x128xf32, #tpu.memory_space<vmem_shared>>) offsets(%dma_start3A_247 : memref<128xi32, #tpu.memory_space<vmem>>) semaphore(%arg16 : memref<!tpu.dma_semaphore, #tpu.memory_space<semaphore_mem>>) {add = true}
    %dma_wait3A_251 = arith.constant 0 : i32
    %dma_wait3A_252 = arith.constant 0 : i32
    %dma_wait3A_253 = tpu.memref_slice %arg12[%dma_wait3A_251, %dma_wait3A_252] : memref<10112x128xf32, #tpu.memory_space<vmem_shared>> -> memref<128x128xf32, #tpu.memory_space<vmem_shared>>
    %dma_wait3A_254 = arith.constant 0 : i32
    %dma_wait3A_255 = arith.constant 0 : i32
    %dma_wait3A_256 = tpu.memref_slice %arg12[%dma_wait3A_254, %dma_wait3A_255] : memref<10112x128xf32, #tpu.memory_space<vmem_shared>> -> memref<128x128xf32, #tpu.memory_space<vmem_shared>>
    tpu.wait_dma2 semaphore(%arg15 : memref<!tpu.dma_semaphore, #tpu.memory_space<semaphore_mem>>) src(%arg10 : memref<128x128xf32, #tpu.memory_space<vmem>>) dst(%dma_wait3A_256 : memref<128x128xf32, #tpu.memory_space<vmem_shared>>)
    %dma_wait3A_257 = arith.constant 0 : i32
    %dma_wait3A_258 = arith.constant 0 : i32
    %dma_wait3A_259 = tpu.memref_slice %arg12[%dma_wait3A_257, %dma_wait3A_258] : memref<10112x128xf32, #tpu.memory_space<vmem_shared>> -> memref<128x128xf32, #tpu.memory_space<vmem_shared>>
    %dma_wait3A_260 = arith.constant 0 : i32
    %dma_wait3A_261 = arith.constant 0 : i32
    %dma_wait3A_262 = tpu.memref_slice %arg12[%dma_wait3A_260, %dma_wait3A_261] : memref<10112x128xf32, #tpu.memory_space<vmem_shared>> -> memref<128x128xf32, #tpu.memory_space<vmem_shared>>
    tpu.wait_dma2 semaphore(%arg16 : memref<!tpu.dma_semaphore, #tpu.memory_space<semaphore_mem>>) src(%arg11 : memref<128x128xf32, #tpu.memory_space<vmem>>) dst(%dma_wait3A_262 : memref<128x128xf32, #tpu.memory_space<vmem_shared>>)
    %dma_wait3A_263 = arith.constant 0 : i32
    %dma_wait3A_264 = arith.constant 0 : i32
    %dma_wait3A_265 = tpu.memref_slice %arg3[%dma_wait3A_263, %dma_wait3A_264] : memref<5120x128xi32, #tpu.memory_space<hbm>> -> memref<32x128xi32, #tpu.memory_space<hbm>>
    %dma_wait3A_266 = arith.constant 0 : i32
    %dma_wait3A_267 = arith.constant 0 : i32
    %dma_wait3A_268 = tpu.memref_slice %arg3[%dma_wait3A_266, %dma_wait3A_267] : memref<5120x128xi32, #tpu.memory_space<hbm>> -> memref<32x128xi32, #tpu.memory_space<hbm>>
    tpu.wait_dma2 semaphore(%arg17 : memref<!tpu.dma_semaphore, #tpu.memory_space<semaphore_mem>>) src(%dma_wait3A_268 : memref<32x128xi32, #tpu.memory_space<hbm>>) dst(%arg8 : memref<32x128xi32, #tpu.memory_space<vmem>>)
    %dma_wait3A_269 = arith.constant 0 : i32
    %dma_wait3A_270 = arith.constant 0 : i32
    %dma_wait3A_271 = tpu.memref_slice %arg3[%dma_wait3A_269, %dma_wait3A_270] : memref<5120x128xi32, #tpu.memory_space<hbm>> -> memref<32x128xi32, #tpu.memory_space<hbm>>
    %dma_wait3A_272 = arith.constant 0 : i32
    %dma_wait3A_273 = arith.constant 0 : i32
    %dma_wait3A_274 = tpu.memref_slice %arg3[%dma_wait3A_272, %dma_wait3A_273] : memref<5120x128xi32, #tpu.memory_space<hbm>> -> memref<32x128xi32, #tpu.memory_space<hbm>>
    tpu.wait_dma2 semaphore(%arg17 : memref<!tpu.dma_semaphore, #tpu.memory_space<semaphore_mem>>) src(%dma_wait3A_274 : memref<32x128xi32, #tpu.memory_space<hbm>>) dst(%arg9 : memref<32x128xi32, #tpu.memory_space<vmem>>)
    %add3A_275 = arith.constant 128 : i32
    %add3A_276 = arith.addi %add3A, %add3A_275 : i32
    %dma_start3A_277 = arith.constant 0 : i32
    %dma_start3A_278 = tpu.memref_slice %arg3[%add3A_276, %dma_start3A_277] : memref<5120x128xi32, #tpu.memory_space<hbm>> -> memref<32x128xi32, #tpu.memory_space<hbm>>
    %dma_start3A_279 = arith.constant 0 : i32
    %dma_start3A_280 = tpu.memref_slice %arg3[%add3A_276, %dma_start3A_279] : memref<5120x128xi32, #tpu.memory_space<hbm>> -> memref<32x128xi32, #tpu.memory_space<hbm>>
    tpu.enqueue_dma source(%dma_start3A_280 : memref<32x128xi32, #tpu.memory_space<hbm>>) target(%arg6 : memref<32x128xi32, #tpu.memory_space<vmem>>) target_semaphore(%arg17 : memref<!tpu.dma_semaphore, #tpu.memory_space<semaphore_mem>>)
    %dma_start3A_281 = arith.constant 0 : i32
    %dma_start3A_282 = tpu.memref_slice %arg4[%add3A_276, %dma_start3A_281] : memref<5120x128xi32, #tpu.memory_space<hbm>> -> memref<32x128xi32, #tpu.memory_space<hbm>>
    %dma_start3A_283 = arith.constant 0 : i32
    %dma_start3A_284 = tpu.memref_slice %arg4[%add3A_276, %dma_start3A_283] : memref<5120x128xi32, #tpu.memory_space<hbm>> -> memref<32x128xi32, #tpu.memory_space<hbm>>
    tpu.enqueue_dma source(%dma_start3A_284 : memref<32x128xi32, #tpu.memory_space<hbm>>) target(%arg7 : memref<32x128xi32, #tpu.memory_space<vmem>>) target_semaphore(%arg17 : memref<!tpu.dma_semaphore, #tpu.memory_space<semaphore_mem>>)
    %dma_start3A_285 = arith.constant 0 : i32
    %dma_start3A_286 = arith.constant 0 : i32
    %dma_start3A_287 = tpu.memref_slice %arg8[%dma_start3A_285, %dma_start3A_286] : memref<32x128xi32, #tpu.memory_space<vmem>> -> memref<1x128xi32, #tpu.memory_space<vmem>>
    %dma_start3A_288 = tpu.memref_squeeze %dma_start3A_287 : memref<1x128xi32, #tpu.memory_space<vmem>> -> memref<128xi32, #tpu.memory_space<vmem>>
    %dma_start3A_289 = arith.constant 0 : i32
    %dma_start3A_290 = arith.constant 0 : i32
    %dma_start3A_291 = tpu.memref_slice %arg2[%dma_start3A_289, %dma_start3A_290] : memref<20000x128xf32, #tpu.memory_space<hbm>> -> memref<20000x128xf32, #tpu.memory_space<hbm>>
    tpu.enqueue_indirect_dma source(%dma_start3A_291 : memref<20000x128xf32, #tpu.memory_space<hbm>>) target(%arg10 : memref<128x128xf32, #tpu.memory_space<vmem>>) offsets(%dma_start3A_288 : memref<128xi32, #tpu.memory_space<vmem>>) semaphore(%arg13 : memref<!tpu.dma_semaphore, #tpu.memory_space<semaphore_mem>>)
    %dma_wait3A_292 = arith.constant 0 : i32
    %dma_wait3A_293 = arith.constant 0 : i32
    %dma_wait3A_294 = tpu.memref_slice %arg2[%dma_wait3A_292, %dma_wait3A_293] : memref<20000x128xf32, #tpu.memory_space<hbm>> -> memref<128x128xf32, #tpu.memory_space<hbm>>
    %dma_wait3A_295 = arith.constant 0 : i32
    %dma_wait3A_296 = arith.constant 0 : i32
    %dma_wait3A_297 = tpu.memref_slice %arg2[%dma_wait3A_295, %dma_wait3A_296] : memref<20000x128xf32, #tpu.memory_space<hbm>> -> memref<128x128xf32, #tpu.memory_space<hbm>>
    tpu.wait_dma2 semaphore(%arg13 : memref<!tpu.dma_semaphore, #tpu.memory_space<semaphore_mem>>) src(%dma_wait3A_297 : memref<128x128xf32, #tpu.memory_space<hbm>>) dst(%arg10 : memref<128x128xf32, #tpu.memory_space<vmem>>)
    %dma_start3A_298 = arith.constant 0 : i32
    %dma_start3A_299 = arith.constant 0 : i32
    %dma_start3A_300 = tpu.memref_slice %arg9[%dma_start3A_298, %dma_start3A_299] : memref<32x128xi32, #tpu.memory_space<vmem>> -> memref<1x128xi32, #tpu.memory_space<vmem>>
    %dma_start3A_301 = tpu.memref_squeeze %dma_start3A_300 : memref<1x128xi32, #tpu.memory_space<vmem>> -> memref<128xi32, #tpu.memory_space<vmem>>
    %dma_start3A_302 = arith.constant 0 : i32
    %dma_start3A_303 = arith.constant 0 : i32
    %dma_start3A_304 = tpu.memref_slice %arg12[%dma_start3A_302, %dma_start3A_303] : memref<10112x128xf32, #tpu.memory_space<vmem_shared>> -> memref<10112x128xf32, #tpu.memory_space<vmem_shared>>
    tpu.enqueue_indirect_dma source(%arg10 : memref<128x128xf32, #tpu.memory_space<vmem>>) target(%dma_start3A_304 : memref<10112x128xf32, #tpu.memory_space<vmem_shared>>) offsets(%dma_start3A_301 : memref<128xi32, #tpu.memory_space<vmem>>) semaphore(%arg15 : memref<!tpu.dma_semaphore, #tpu.memory_space<semaphore_mem>>) {add = true}
    %dma_start3A_305 = arith.constant 1 : i32
    %dma_start3A_306 = arith.constant 0 : i32
    %dma_start3A_307 = tpu.memref_slice %arg8[%dma_start3A_305, %dma_start3A_306] : memref<32x128xi32, #tpu.memory_space<vmem>> -> memref<1x128xi32, #tpu.memory_space<vmem>>
    %dma_start3A_308 = tpu.memref_squeeze %dma_start3A_307 : memref<1x128xi32, #tpu.memory_space<vmem>> -> memref<128xi32, #tpu.memory_space<vmem>>
    %dma_start3A_309 = arith.constant 0 : i32
    %dma_start3A_310 = arith.constant 0 : i32
    %dma_start3A_311 = tpu.memref_slice %arg2[%dma_start3A_309, %dma_start3A_310] : memref<20000x128xf32, #tpu.memory_space<hbm>> -> memref<20000x128xf32, #tpu.memory_space<hbm>>
    tpu.enqueue_indirect_dma source(%dma_start3A_311 : memref<20000x128xf32, #tpu.memory_space<hbm>>) target(%arg11 : memref<128x128xf32, #tpu.memory_space<vmem>>) offsets(%dma_start3A_308 : memref<128xi32, #tpu.memory_space<vmem>>) semaphore(%arg14 : memref<!tpu.dma_semaphore, #tpu.memory_space<semaphore_mem>>)
    %scan3A_312 = arith.constant 0 : i32
    %scan3A_313 = arith.constant 15 : i32
    %scan3A_314 = arith.addi %scan3A_312, %scan3A_313 : i32
    %scan3A_315 = arith.constant 1 : i32
    scf.for %scan3A_416 = %scan3A_312 to %scan3A_314 step %scan3A_315  : i32 {
      %mul3A_417 = arith.constant 1 : i32
      %mul3A_418 = arith.muli %scan3A_416, %mul3A_417 : i32
      %add3A_419 = arith.constant 0 : i32
      %add3A_420 = arith.addi %add3A_419, %mul3A_418 : i32
      %mul3A_421 = arith.constant 2 : i32
      %mul3A_422 = arith.muli %mul3A_421, %add3A_420 : i32
      %dma_wait3A_423 = arith.constant 0 : i32
      %dma_wait3A_424 = arith.constant 0 : i32
      %dma_wait3A_425 = tpu.memref_slice %arg2[%dma_wait3A_423, %dma_wait3A_424] : memref<20000x128xf32, #tpu.memory_space<hbm>> -> memref<128x128xf32, #tpu.memory_space<hbm>>
      %dma_wait3A_426 = arith.constant 0 : i32
      %dma_wait3A_427 = arith.constant 0 : i32
      %dma_wait3A_428 = tpu.memref_slice %arg2[%dma_wait3A_426, %dma_wait3A_427] : memref<20000x128xf32, #tpu.memory_space<hbm>> -> memref<128x128xf32, #tpu.memory_space<hbm>>
      tpu.wait_dma2 semaphore(%arg14 : memref<!tpu.dma_semaphore, #tpu.memory_space<semaphore_mem>>) src(%dma_wait3A_428 : memref<128x128xf32, #tpu.memory_space<hbm>>) dst(%arg11 : memref<128x128xf32, #tpu.memory_space<vmem>>)
      %add3A_429 = arith.constant 1 : i32
      %add3A_430 = arith.addi %mul3A_422, %add3A_429 : i32
      %dma_start3A_431 = arith.constant 0 : i32
      %dma_start3A_432 = tpu.memref_slice %arg9[%add3A_430, %dma_start3A_431] : memref<32x128xi32, #tpu.memory_space<vmem>> -> memref<1x128xi32, #tpu.memory_space<vmem>>
      %dma_start3A_433 = tpu.memref_squeeze %dma_start3A_432 : memref<1x128xi32, #tpu.memory_space<vmem>> -> memref<128xi32, #tpu.memory_space<vmem>>
      %dma_start3A_434 = arith.constant 0 : i32
      %dma_start3A_435 = arith.constant 0 : i32
      %dma_start3A_436 = tpu.memref_slice %arg12[%dma_start3A_434, %dma_start3A_435] : memref<10112x128xf32, #tpu.memory_space<vmem_shared>> -> memref<10112x128xf32, #tpu.memory_space<vmem_shared>>
      tpu.enqueue_indirect_dma source(%arg11 : memref<128x128xf32, #tpu.memory_space<vmem>>) target(%dma_start3A_436 : memref<10112x128xf32, #tpu.memory_space<vmem_shared>>) offsets(%dma_start3A_433 : memref<128xi32, #tpu.memory_space<vmem>>) semaphore(%arg16 : memref<!tpu.dma_semaphore, #tpu.memory_space<semaphore_mem>>) {add = true}
      %dma_wait3A_437 = arith.constant 0 : i32
      %dma_wait3A_438 = arith.constant 0 : i32
      %dma_wait3A_439 = tpu.memref_slice %arg12[%dma_wait3A_437, %dma_wait3A_438] : memref<10112x128xf32, #tpu.memory_space<vmem_shared>> -> memref<128x128xf32, #tpu.memory_space<vmem_shared>>
      %dma_wait3A_440 = arith.constant 0 : i32
      %dma_wait3A_441 = arith.constant 0 : i32
      %dma_wait3A_442 = tpu.memref_slice %arg12[%dma_wait3A_440, %dma_wait3A_441] : memref<10112x128xf32, #tpu.memory_space<vmem_shared>> -> memref<128x128xf32, #tpu.memory_space<vmem_shared>>
      tpu.wait_dma2 semaphore(%arg15 : memref<!tpu.dma_semaphore, #tpu.memory_space<semaphore_mem>>) src(%arg10 : memref<128x128xf32, #tpu.memory_space<vmem>>) dst(%dma_wait3A_442 : memref<128x128xf32, #tpu.memory_space<vmem_shared>>)
      %add3A_443 = arith.constant 2 : i32
      %add3A_444 = arith.addi %mul3A_422, %add3A_443 : i32
      %dma_start3A_445 = arith.constant 0 : i32
      %dma_start3A_446 = tpu.memref_slice %arg8[%add3A_444, %dma_start3A_445] : memref<32x128xi32, #tpu.memory_space<vmem>> -> memref<1x128xi32, #tpu.memory_space<vmem>>
      %dma_start3A_447 = tpu.memref_squeeze %dma_start3A_446 : memref<1x128xi32, #tpu.memory_space<vmem>> -> memref<128xi32, #tpu.memory_space<vmem>>
      %dma_start3A_448 = arith.constant 0 : i32
      %dma_start3A_449 = arith.constant 0 : i32
      %dma_start3A_450 = tpu.memref_slice %arg2[%dma_start3A_448, %dma_start3A_449] : memref<20000x128xf32, #tpu.memory_space<hbm>> -> memref<20000x128xf32, #tpu.memory_space<hbm>>
      tpu.enqueue_indirect_dma source(%dma_start3A_450 : memref<20000x128xf32, #tpu.memory_space<hbm>>) target(%arg10 : memref<128x128xf32, #tpu.memory_space<vmem>>) offsets(%dma_start3A_447 : memref<128xi32, #tpu.memory_space<vmem>>) semaphore(%arg13 : memref<!tpu.dma_semaphore, #tpu.memory_space<semaphore_mem>>)
      %dma_wait3A_451 = arith.constant 0 : i32
      %dma_wait3A_452 = arith.constant 0 : i32
      %dma_wait3A_453 = tpu.memref_slice %arg2[%dma_wait3A_451, %dma_wait3A_452] : memref<20000x128xf32, #tpu.memory_space<hbm>> -> memref<128x128xf32, #tpu.memory_space<hbm>>
      %dma_wait3A_454 = arith.constant 0 : i32
      %dma_wait3A_455 = arith.constant 0 : i32
      %dma_wait3A_456 = tpu.memref_slice %arg2[%dma_wait3A_454, %dma_wait3A_455] : memref<20000x128xf32, #tpu.memory_space<hbm>> -> memref<128x128xf32, #tpu.memory_space<hbm>>
      tpu.wait_dma2 semaphore(%arg13 : memref<!tpu.dma_semaphore, #tpu.memory_space<semaphore_mem>>) src(%dma_wait3A_456 : memref<128x128xf32, #tpu.memory_space<hbm>>) dst(%arg10 : memref<128x128xf32, #tpu.memory_space<vmem>>)
      %add3A_457 = arith.constant 2 : i32
      %add3A_458 = arith.addi %mul3A_422, %add3A_457 : i32
      %dma_start3A_459 = arith.constant 0 : i32
      %dma_start3A_460 = tpu.memref_slice %arg9[%add3A_458, %dma_start3A_459] : memref<32x128xi32, #tpu.memory_space<vmem>> -> memref<1x128xi32, #tpu.memory_space<vmem>>
      %dma_start3A_461 = tpu.memref_squeeze %dma_start3A_460 : memref<1x128xi32, #tpu.memory_space<vmem>> -> memref<128xi32, #tpu.memory_space<vmem>>
      %dma_start3A_462 = arith.constant 0 : i32
      %dma_start3A_463 = arith.constant 0 : i32
      %dma_start3A_464 = tpu.memref_slice %arg12[%dma_start3A_462, %dma_start3A_463] : memref<10112x128xf32, #tpu.memory_space<vmem_shared>> -> memref<10112x128xf32, #tpu.memory_space<vmem_shared>>
      tpu.enqueue_indirect_dma source(%arg10 : memref<128x128xf32, #tpu.memory_space<vmem>>) target(%dma_start3A_464 : memref<10112x128xf32, #tpu.memory_space<vmem_shared>>) offsets(%dma_start3A_461 : memref<128xi32, #tpu.memory_space<vmem>>) semaphore(%arg15 : memref<!tpu.dma_semaphore, #tpu.memory_space<semaphore_mem>>) {add = true}
      %dma_wait3A_465 = arith.constant 0 : i32
      %dma_wait3A_466 = arith.constant 0 : i32
      %dma_wait3A_467 = tpu.memref_slice %arg12[%dma_wait3A_465, %dma_wait3A_466] : memref<10112x128xf32, #tpu.memory_space<vmem_shared>> -> memref<128x128xf32, #tpu.memory_space<vmem_shared>>
      %dma_wait3A_468 = arith.constant 0 : i32
      %dma_wait3A_469 = arith.constant 0 : i32
      %dma_wait3A_470 = tpu.memref_slice %arg12[%dma_wait3A_468, %dma_wait3A_469] : memref<10112x128xf32, #tpu.memory_space<vmem_shared>> -> memref<128x128xf32, #tpu.memory_space<vmem_shared>>
      tpu.wait_dma2 semaphore(%arg16 : memref<!tpu.dma_semaphore, #tpu.memory_space<semaphore_mem>>) src(%arg11 : memref<128x128xf32, #tpu.memory_space<vmem>>) dst(%dma_wait3A_470 : memref<128x128xf32, #tpu.memory_space<vmem_shared>>)
      %add3A_471 = arith.constant 3 : i32
      %add3A_472 = arith.addi %mul3A_422, %add3A_471 : i32
      %dma_start3A_473 = arith.constant 0 : i32
      %dma_start3A_474 = tpu.memref_slice %arg8[%add3A_472, %dma_start3A_473] : memref<32x128xi32, #tpu.memory_space<vmem>> -> memref<1x128xi32, #tpu.memory_space<vmem>>
      %dma_start3A_475 = tpu.memref_squeeze %dma_start3A_474 : memref<1x128xi32, #tpu.memory_space<vmem>> -> memref<128xi32, #tpu.memory_space<vmem>>
      %dma_start3A_476 = arith.constant 0 : i32
      %dma_start3A_477 = arith.constant 0 : i32
      %dma_start3A_478 = tpu.memref_slice %arg2[%dma_start3A_476, %dma_start3A_477] : memref<20000x128xf32, #tpu.memory_space<hbm>> -> memref<20000x128xf32, #tpu.memory_space<hbm>>
      tpu.enqueue_indirect_dma source(%dma_start3A_478 : memref<20000x128xf32, #tpu.memory_space<hbm>>) target(%arg11 : memref<128x128xf32, #tpu.memory_space<vmem>>) offsets(%dma_start3A_475 : memref<128xi32, #tpu.memory_space<vmem>>) semaphore(%arg14 : memref<!tpu.dma_semaphore, #tpu.memory_space<semaphore_mem>>)
    }
    %scan3A_316 = arith.constant 15 : i32
    %dma_wait3A_317 = arith.constant 0 : i32
    %dma_wait3A_318 = arith.constant 0 : i32
    %dma_wait3A_319 = tpu.memref_slice %arg2[%dma_wait3A_317, %dma_wait3A_318] : memref<20000x128xf32, #tpu.memory_space<hbm>> -> memref<128x128xf32, #tpu.memory_space<hbm>>
    %dma_wait3A_320 = arith.constant 0 : i32
    %dma_wait3A_321 = arith.constant 0 : i32
    %dma_wait3A_322 = tpu.memref_slice %arg2[%dma_wait3A_320, %dma_wait3A_321] : memref<20000x128xf32, #tpu.memory_space<hbm>> -> memref<128x128xf32, #tpu.memory_space<hbm>>
    tpu.wait_dma2 semaphore(%arg14 : memref<!tpu.dma_semaphore, #tpu.memory_space<semaphore_mem>>) src(%dma_wait3A_322 : memref<128x128xf32, #tpu.memory_space<hbm>>) dst(%arg11 : memref<128x128xf32, #tpu.memory_space<vmem>>)
    %dma_start3A_323 = arith.constant 31 : i32
    %dma_start3A_324 = arith.constant 0 : i32
    %dma_start3A_325 = tpu.memref_slice %arg9[%dma_start3A_323, %dma_start3A_324] : memref<32x128xi32, #tpu.memory_space<vmem>> -> memref<1x128xi32, #tpu.memory_space<vmem>>
    %dma_start3A_326 = tpu.memref_squeeze %dma_start3A_325 : memref<1x128xi32, #tpu.memory_space<vmem>> -> memref<128xi32, #tpu.memory_space<vmem>>
    %dma_start3A_327 = arith.constant 0 : i32
    %dma_start3A_328 = arith.constant 0 : i32
    %dma_start3A_329 = tpu.memref_slice %arg12[%dma_start3A_327, %dma_start3A_328] : memref<10112x128xf32, #tpu.memory_space<vmem_shared>> -> memref<10112x128xf32, #tpu.memory_space<vmem_shared>>
    tpu.enqueue_indirect_dma source(%arg11 : memref<128x128xf32, #tpu.memory_space<vmem>>) target(%dma_start3A_329 : memref<10112x128xf32, #tpu.memory_space<vmem_shared>>) offsets(%dma_start3A_326 : memref<128xi32, #tpu.memory_space<vmem>>) semaphore(%arg16 : memref<!tpu.dma_semaphore, #tpu.memory_space<semaphore_mem>>) {add = true}
    %dma_wait3A_330 = arith.constant 0 : i32
    %dma_wait3A_331 = arith.constant 0 : i32
    %dma_wait3A_332 = tpu.memref_slice %arg12[%dma_wait3A_330, %dma_wait3A_331] : memref<10112x128xf32, #tpu.memory_space<vmem_shared>> -> memref<128x128xf32, #tpu.memory_space<vmem_shared>>
    %dma_wait3A_333 = arith.constant 0 : i32
    %dma_wait3A_334 = arith.constant 0 : i32
    %dma_wait3A_335 = tpu.memref_slice %arg12[%dma_wait3A_333, %dma_wait3A_334] : memref<10112x128xf32, #tpu.memory_space<vmem_shared>> -> memref<128x128xf32, #tpu.memory_space<vmem_shared>>
    tpu.wait_dma2 semaphore(%arg15 : memref<!tpu.dma_semaphore, #tpu.memory_space<semaphore_mem>>) src(%arg10 : memref<128x128xf32, #tpu.memory_space<vmem>>) dst(%dma_wait3A_335 : memref<128x128xf32, #tpu.memory_space<vmem_shared>>)
    %dma_wait3A_336 = arith.constant 0 : i32
    %dma_wait3A_337 = arith.constant 0 : i32
    %dma_wait3A_338 = tpu.memref_slice %arg12[%dma_wait3A_336, %dma_wait3A_337] : memref<10112x128xf32, #tpu.memory_space<vmem_shared>> -> memref<128x128xf32, #tpu.memory_space<vmem_shared>>
    %dma_wait3A_339 = arith.constant 0 : i32
    %dma_wait3A_340 = arith.constant 0 : i32
    %dma_wait3A_341 = tpu.memref_slice %arg12[%dma_wait3A_339, %dma_wait3A_340] : memref<10112x128xf32, #tpu.memory_space<vmem_shared>> -> memref<128x128xf32, #tpu.memory_space<vmem_shared>>
    tpu.wait_dma2 semaphore(%arg16 : memref<!tpu.dma_semaphore, #tpu.memory_space<semaphore_mem>>) src(%arg11 : memref<128x128xf32, #tpu.memory_space<vmem>>) dst(%dma_wait3A_341 : memref<128x128xf32, #tpu.memory_space<vmem_shared>>)
    %dma_wait3A_342 = arith.constant 0 : i32
    %dma_wait3A_343 = arith.constant 0 : i32
    %dma_wait3A_344 = tpu.memref_slice %arg3[%dma_wait3A_342, %dma_wait3A_343] : memref<5120x128xi32, #tpu.memory_space<hbm>> -> memref<32x128xi32, #tpu.memory_space<hbm>>
    %dma_wait3A_345 = arith.constant 0 : i32
    %dma_wait3A_346 = arith.constant 0 : i32
    %dma_wait3A_347 = tpu.memref_slice %arg3[%dma_wait3A_345, %dma_wait3A_346] : memref<5120x128xi32, #tpu.memory_space<hbm>> -> memref<32x128xi32, #tpu.memory_space<hbm>>
    tpu.wait_dma2 semaphore(%arg17 : memref<!tpu.dma_semaphore, #tpu.memory_space<semaphore_mem>>) src(%dma_wait3A_347 : memref<32x128xi32, #tpu.memory_space<hbm>>) dst(%arg6 : memref<32x128xi32, #tpu.memory_space<vmem>>)
    %dma_wait3A_348 = arith.constant 0 : i32
    %dma_wait3A_349 = arith.constant 0 : i32
    %dma_wait3A_350 = tpu.memref_slice %arg3[%dma_wait3A_348, %dma_wait3A_349] : memref<5120x128xi32, #tpu.memory_space<hbm>> -> memref<32x128xi32, #tpu.memory_space<hbm>>
    %dma_wait3A_351 = arith.constant 0 : i32
    %dma_wait3A_352 = arith.constant 0 : i32
    %dma_wait3A_353 = tpu.memref_slice %arg3[%dma_wait3A_351, %dma_wait3A_352] : memref<5120x128xi32, #tpu.memory_space<hbm>> -> memref<32x128xi32, #tpu.memory_space<hbm>>
    tpu.wait_dma2 semaphore(%arg17 : memref<!tpu.dma_semaphore, #tpu.memory_space<semaphore_mem>>) src(%dma_wait3A_353 : memref<32x128xi32, #tpu.memory_space<hbm>>) dst(%arg7 : memref<32x128xi32, #tpu.memory_space<vmem>>)
    %dma_start3A_354 = arith.constant 0 : i32
    %dma_start3A_355 = arith.constant 0 : i32
    %dma_start3A_356 = tpu.memref_slice %arg6[%dma_start3A_354, %dma_start3A_355] : memref<32x128xi32, #tpu.memory_space<vmem>> -> memref<1x128xi32, #tpu.memory_space<vmem>>
    %dma_start3A_357 = tpu.memref_squeeze %dma_start3A_356 : memref<1x128xi32, #tpu.memory_space<vmem>> -> memref<128xi32, #tpu.memory_space<vmem>>
    %dma_start3A_358 = arith.constant 0 : i32
    %dma_start3A_359 = arith.constant 0 : i32
    %dma_start3A_360 = tpu.memref_slice %arg2[%dma_start3A_358, %dma_start3A_359] : memref<20000x128xf32, #tpu.memory_space<hbm>> -> memref<20000x128xf32, #tpu.memory_space<hbm>>
    tpu.enqueue_indirect_dma source(%dma_start3A_360 : memref<20000x128xf32, #tpu.memory_space<hbm>>) target(%arg10 : memref<128x128xf32, #tpu.memory_space<vmem>>) offsets(%dma_start3A_357 : memref<128xi32, #tpu.memory_space<vmem>>) semaphore(%arg13 : memref<!tpu.dma_semaphore, #tpu.memory_space<semaphore_mem>>)
    %dma_wait3A_361 = arith.constant 0 : i32
    %dma_wait3A_362 = arith.constant 0 : i32
    %dma_wait3A_363 = tpu.memref_slice %arg2[%dma_wait3A_361, %dma_wait3A_362] : memref<20000x128xf32, #tpu.memory_space<hbm>> -> memref<128x128xf32, #tpu.memory_space<hbm>>
    %dma_wait3A_364 = arith.constant 0 : i32
    %dma_wait3A_365 = arith.constant 0 : i32
    %dma_wait3A_366 = tpu.memref_slice %arg2[%dma_wait3A_364, %dma_wait3A_365] : memref<20000x128xf32, #tpu.memory_space<hbm>> -> memref<128x128xf32, #tpu.memory_space<hbm>>
    tpu.wait_dma2 semaphore(%arg13 : memref<!tpu.dma_semaphore, #tpu.memory_space<semaphore_mem>>) src(%dma_wait3A_366 : memref<128x128xf32, #tpu.memory_space<hbm>>) dst(%arg10 : memref<128x128xf32, #tpu.memory_space<vmem>>)
    %dma_start3A_367 = arith.constant 0 : i32
    %dma_start3A_368 = arith.constant 0 : i32
    %dma_start3A_369 = tpu.memref_slice %arg7[%dma_start3A_367, %dma_start3A_368] : memref<32x128xi32, #tpu.memory_space<vmem>> -> memref<1x128xi32, #tpu.memory_space<vmem>>
    %dma_start3A_370 = tpu.memref_squeeze %dma_start3A_369 : memref<1x128xi32, #tpu.memory_space<vmem>> -> memref<128xi32, #tpu.memory_space<vmem>>
    %dma_start3A_371 = arith.constant 0 : i32
    %dma_start3A_372 = arith.constant 0 : i32
    %dma_start3A_373 = tpu.memref_slice %arg12[%dma_start3A_371, %dma_start3A_372] : memref<10112x128xf32, #tpu.memory_space<vmem_shared>> -> memref<10112x128xf32, #tpu.memory_space<vmem_shared>>
    tpu.enqueue_indirect_dma source(%arg10 : memref<128x128xf32, #tpu.memory_space<vmem>>) target(%dma_start3A_373 : memref<10112x128xf32, #tpu.memory_space<vmem_shared>>) offsets(%dma_start3A_370 : memref<128xi32, #tpu.memory_space<vmem>>) semaphore(%arg15 : memref<!tpu.dma_semaphore, #tpu.memory_space<semaphore_mem>>) {add = true}
    %dma_start3A_374 = arith.constant 1 : i32
    %dma_start3A_375 = arith.constant 0 : i32
    %dma_start3A_376 = tpu.memref_slice %arg6[%dma_start3A_374, %dma_start3A_375] : memref<32x128xi32, #tpu.memory_space<vmem>> -> memref<1x128xi32, #tpu.memory_space<vmem>>
    %dma_start3A_377 = tpu.memref_squeeze %dma_start3A_376 : memref<1x128xi32, #tpu.memory_space<vmem>> -> memref<128xi32, #tpu.memory_space<vmem>>
    %dma_start3A_378 = arith.constant 0 : i32
    %dma_start3A_379 = arith.constant 0 : i32
    %dma_start3A_380 = tpu.memref_slice %arg2[%dma_start3A_378, %dma_start3A_379] : memref<20000x128xf32, #tpu.memory_space<hbm>> -> memref<20000x128xf32, #tpu.memory_space<hbm>>
    tpu.enqueue_indirect_dma source(%dma_start3A_380 : memref<20000x128xf32, #tpu.memory_space<hbm>>) target(%arg11 : memref<128x128xf32, #tpu.memory_space<vmem>>) offsets(%dma_start3A_377 : memref<128xi32, #tpu.memory_space<vmem>>) semaphore(%arg14 : memref<!tpu.dma_semaphore, #tpu.memory_space<semaphore_mem>>)
    %scan3A_381 = arith.constant 0 : i32
    %scan3A_382 = arith.constant 15 : i32
    %scan3A_383 = arith.addi %scan3A_381, %scan3A_382 : i32
    %scan3A_384 = arith.constant 1 : i32
    scf.for %scan3A_416 = %scan3A_381 to %scan3A_383 step %scan3A_384  : i32 {
      %mul3A_417 = arith.constant 1 : i32
      %mul3A_418 = arith.muli %scan3A_416, %mul3A_417 : i32
      %add3A_419 = arith.constant 0 : i32
      %add3A_420 = arith.addi %add3A_419, %mul3A_418 : i32
      %mul3A_421 = arith.constant 2 : i32
      %mul3A_422 = arith.muli %mul3A_421, %add3A_420 : i32
      %dma_wait3A_423 = arith.constant 0 : i32
      %dma_wait3A_424 = arith.constant 0 : i32
      %dma_wait3A_425 = tpu.memref_slice %arg2[%dma_wait3A_423, %dma_wait3A_424] : memref<20000x128xf32, #tpu.memory_space<hbm>> -> memref<128x128xf32, #tpu.memory_space<hbm>>
      %dma_wait3A_426 = arith.constant 0 : i32
      %dma_wait3A_427 = arith.constant 0 : i32
      %dma_wait3A_428 = tpu.memref_slice %arg2[%dma_wait3A_426, %dma_wait3A_427] : memref<20000x128xf32, #tpu.memory_space<hbm>> -> memref<128x128xf32, #tpu.memory_space<hbm>>
      tpu.wait_dma2 semaphore(%arg14 : memref<!tpu.dma_semaphore, #tpu.memory_space<semaphore_mem>>) src(%dma_wait3A_428 : memref<128x128xf32, #tpu.memory_space<hbm>>) dst(%arg11 : memref<128x128xf32, #tpu.memory_space<vmem>>)
      %add3A_429 = arith.constant 1 : i32
      %add3A_430 = arith.addi %mul3A_422, %add3A_429 : i32
      %dma_start3A_431 = arith.constant 0 : i32
      %dma_start3A_432 = tpu.memref_slice %arg7[%add3A_430, %dma_start3A_431] : memref<32x128xi32, #tpu.memory_space<vmem>> -> memref<1x128xi32, #tpu.memory_space<vmem>>
      %dma_start3A_433 = tpu.memref_squeeze %dma_start3A_432 : memref<1x128xi32, #tpu.memory_space<vmem>> -> memref<128xi32, #tpu.memory_space<vmem>>
      %dma_start3A_434 = arith.constant 0 : i32
      %dma_start3A_435 = arith.constant 0 : i32
      %dma_start3A_436 = tpu.memref_slice %arg12[%dma_start3A_434, %dma_start3A_435] : memref<10112x128xf32, #tpu.memory_space<vmem_shared>> -> memref<10112x128xf32, #tpu.memory_space<vmem_shared>>
      tpu.enqueue_indirect_dma source(%arg11 : memref<128x128xf32, #tpu.memory_space<vmem>>) target(%dma_start3A_436 : memref<10112x128xf32, #tpu.memory_space<vmem_shared>>) offsets(%dma_start3A_433 : memref<128xi32, #tpu.memory_space<vmem>>) semaphore(%arg16 : memref<!tpu.dma_semaphore, #tpu.memory_space<semaphore_mem>>) {add = true}
      %dma_wait3A_437 = arith.constant 0 : i32
      %dma_wait3A_438 = arith.constant 0 : i32
      %dma_wait3A_439 = tpu.memref_slice %arg12[%dma_wait3A_437, %dma_wait3A_438] : memref<10112x128xf32, #tpu.memory_space<vmem_shared>> -> memref<128x128xf32, #tpu.memory_space<vmem_shared>>
      %dma_wait3A_440 = arith.constant 0 : i32
      %dma_wait3A_441 = arith.constant 0 : i32
      %dma_wait3A_442 = tpu.memref_slice %arg12[%dma_wait3A_440, %dma_wait3A_441] : memref<10112x128xf32, #tpu.memory_space<vmem_shared>> -> memref<128x128xf32, #tpu.memory_space<vmem_shared>>
      tpu.wait_dma2 semaphore(%arg15 : memref<!tpu.dma_semaphore, #tpu.memory_space<semaphore_mem>>) src(%arg10 : memref<128x128xf32, #tpu.memory_space<vmem>>) dst(%dma_wait3A_442 : memref<128x128xf32, #tpu.memory_space<vmem_shared>>)
      %add3A_443 = arith.constant 2 : i32
      %add3A_444 = arith.addi %mul3A_422, %add3A_443 : i32
      %dma_start3A_445 = arith.constant 0 : i32
      %dma_start3A_446 = tpu.memref_slice %arg6[%add3A_444, %dma_start3A_445] : memref<32x128xi32, #tpu.memory_space<vmem>> -> memref<1x128xi32, #tpu.memory_space<vmem>>
      %dma_start3A_447 = tpu.memref_squeeze %dma_start3A_446 : memref<1x128xi32, #tpu.memory_space<vmem>> -> memref<128xi32, #tpu.memory_space<vmem>>
      %dma_start3A_448 = arith.constant 0 : i32
      %dma_start3A_449 = arith.constant 0 : i32
      %dma_start3A_450 = tpu.memref_slice %arg2[%dma_start3A_448, %dma_start3A_449] : memref<20000x128xf32, #tpu.memory_space<hbm>> -> memref<20000x128xf32, #tpu.memory_space<hbm>>
      tpu.enqueue_indirect_dma source(%dma_start3A_450 : memref<20000x128xf32, #tpu.memory_space<hbm>>) target(%arg10 : memref<128x128xf32, #tpu.memory_space<vmem>>) offsets(%dma_start3A_447 : memref<128xi32, #tpu.memory_space<vmem>>) semaphore(%arg13 : memref<!tpu.dma_semaphore, #tpu.memory_space<semaphore_mem>>)
      %dma_wait3A_451 = arith.constant 0 : i32
      %dma_wait3A_452 = arith.constant 0 : i32
      %dma_wait3A_453 = tpu.memref_slice %arg2[%dma_wait3A_451, %dma_wait3A_452] : memref<20000x128xf32, #tpu.memory_space<hbm>> -> memref<128x128xf32, #tpu.memory_space<hbm>>
      %dma_wait3A_454 = arith.constant 0 : i32
      %dma_wait3A_455 = arith.constant 0 : i32
      %dma_wait3A_456 = tpu.memref_slice %arg2[%dma_wait3A_454, %dma_wait3A_455] : memref<20000x128xf32, #tpu.memory_space<hbm>> -> memref<128x128xf32, #tpu.memory_space<hbm>>
      tpu.wait_dma2 semaphore(%arg13 : memref<!tpu.dma_semaphore, #tpu.memory_space<semaphore_mem>>) src(%dma_wait3A_456 : memref<128x128xf32, #tpu.memory_space<hbm>>) dst(%arg10 : memref<128x128xf32, #tpu.memory_space<vmem>>)
      %add3A_457 = arith.constant 2 : i32
      %add3A_458 = arith.addi %mul3A_422, %add3A_457 : i32
      %dma_start3A_459 = arith.constant 0 : i32
      %dma_start3A_460 = tpu.memref_slice %arg7[%add3A_458, %dma_start3A_459] : memref<32x128xi32, #tpu.memory_space<vmem>> -> memref<1x128xi32, #tpu.memory_space<vmem>>
      %dma_start3A_461 = tpu.memref_squeeze %dma_start3A_460 : memref<1x128xi32, #tpu.memory_space<vmem>> -> memref<128xi32, #tpu.memory_space<vmem>>
      %dma_start3A_462 = arith.constant 0 : i32
      %dma_start3A_463 = arith.constant 0 : i32
      %dma_start3A_464 = tpu.memref_slice %arg12[%dma_start3A_462, %dma_start3A_463] : memref<10112x128xf32, #tpu.memory_space<vmem_shared>> -> memref<10112x128xf32, #tpu.memory_space<vmem_shared>>
      tpu.enqueue_indirect_dma source(%arg10 : memref<128x128xf32, #tpu.memory_space<vmem>>) target(%dma_start3A_464 : memref<10112x128xf32, #tpu.memory_space<vmem_shared>>) offsets(%dma_start3A_461 : memref<128xi32, #tpu.memory_space<vmem>>) semaphore(%arg15 : memref<!tpu.dma_semaphore, #tpu.memory_space<semaphore_mem>>) {add = true}
      %dma_wait3A_465 = arith.constant 0 : i32
      %dma_wait3A_466 = arith.constant 0 : i32
      %dma_wait3A_467 = tpu.memref_slice %arg12[%dma_wait3A_465, %dma_wait3A_466] : memref<10112x128xf32, #tpu.memory_space<vmem_shared>> -> memref<128x128xf32, #tpu.memory_space<vmem_shared>>
      %dma_wait3A_468 = arith.constant 0 : i32
      %dma_wait3A_469 = arith.constant 0 : i32
      %dma_wait3A_470 = tpu.memref_slice %arg12[%dma_wait3A_468, %dma_wait3A_469] : memref<10112x128xf32, #tpu.memory_space<vmem_shared>> -> memref<128x128xf32, #tpu.memory_space<vmem_shared>>
      tpu.wait_dma2 semaphore(%arg16 : memref<!tpu.dma_semaphore, #tpu.memory_space<semaphore_mem>>) src(%arg11 : memref<128x128xf32, #tpu.memory_space<vmem>>) dst(%dma_wait3A_470 : memref<128x128xf32, #tpu.memory_space<vmem_shared>>)
      %add3A_471 = arith.constant 3 : i32
      %add3A_472 = arith.addi %mul3A_422, %add3A_471 : i32
      %dma_start3A_473 = arith.constant 0 : i32
      %dma_start3A_474 = tpu.memref_slice %arg6[%add3A_472, %dma_start3A_473] : memref<32x128xi32, #tpu.memory_space<vmem>> -> memref<1x128xi32, #tpu.memory_space<vmem>>
      %dma_start3A_475 = tpu.memref_squeeze %dma_start3A_474 : memref<1x128xi32, #tpu.memory_space<vmem>> -> memref<128xi32, #tpu.memory_space<vmem>>
      %dma_start3A_476 = arith.constant 0 : i32
      %dma_start3A_477 = arith.constant 0 : i32
      %dma_start3A_478 = tpu.memref_slice %arg2[%dma_start3A_476, %dma_start3A_477] : memref<20000x128xf32, #tpu.memory_space<hbm>> -> memref<20000x128xf32, #tpu.memory_space<hbm>>
      tpu.enqueue_indirect_dma source(%dma_start3A_478 : memref<20000x128xf32, #tpu.memory_space<hbm>>) target(%arg11 : memref<128x128xf32, #tpu.memory_space<vmem>>) offsets(%dma_start3A_475 : memref<128xi32, #tpu.memory_space<vmem>>) semaphore(%arg14 : memref<!tpu.dma_semaphore, #tpu.memory_space<semaphore_mem>>)
    }
    %scan3A_385 = arith.constant 15 : i32
    %dma_wait3A_386 = arith.constant 0 : i32
    %dma_wait3A_387 = arith.constant 0 : i32
    %dma_wait3A_388 = tpu.memref_slice %arg2[%dma_wait3A_386, %dma_wait3A_387] : memref<20000x128xf32, #tpu.memory_space<hbm>> -> memref<128x128xf32, #tpu.memory_space<hbm>>
    %dma_wait3A_389 = arith.constant 0 : i32
    %dma_wait3A_390 = arith.constant 0 : i32
    %dma_wait3A_391 = tpu.memref_slice %arg2[%dma_wait3A_389, %dma_wait3A_390] : memref<20000x128xf32, #tpu.memory_space<hbm>> -> memref<128x128xf32, #tpu.memory_space<hbm>>
    tpu.wait_dma2 semaphore(%arg14 : memref<!tpu.dma_semaphore, #tpu.memory_space<semaphore_mem>>) src(%dma_wait3A_391 : memref<128x128xf32, #tpu.memory_space<hbm>>) dst(%arg11 : memref<128x128xf32, #tpu.memory_space<vmem>>)
    %dma_start3A_392 = arith.constant 31 : i32
    %dma_start3A_393 = arith.constant 0 : i32
    %dma_start3A_394 = tpu.memref_slice %arg7[%dma_start3A_392, %dma_start3A_393] : memref<32x128xi32, #tpu.memory_space<vmem>> -> memref<1x128xi32, #tpu.memory_space<vmem>>
    %dma_start3A_395 = tpu.memref_squeeze %dma_start3A_394 : memref<1x128xi32, #tpu.memory_space<vmem>> -> memref<128xi32, #tpu.memory_space<vmem>>
    %dma_start3A_396 = arith.constant 0 : i32
    %dma_start3A_397 = arith.constant 0 : i32
    %dma_start3A_398 = tpu.memref_slice %arg12[%dma_start3A_396, %dma_start3A_397] : memref<10112x128xf32, #tpu.memory_space<vmem_shared>> -> memref<10112x128xf32, #tpu.memory_space<vmem_shared>>
    tpu.enqueue_indirect_dma source(%arg11 : memref<128x128xf32, #tpu.memory_space<vmem>>) target(%dma_start3A_398 : memref<10112x128xf32, #tpu.memory_space<vmem_shared>>) offsets(%dma_start3A_395 : memref<128xi32, #tpu.memory_space<vmem>>) semaphore(%arg16 : memref<!tpu.dma_semaphore, #tpu.memory_space<semaphore_mem>>) {add = true}
    %dma_wait3A_399 = arith.constant 0 : i32
    %dma_wait3A_400 = arith.constant 0 : i32
    %dma_wait3A_401 = tpu.memref_slice %arg12[%dma_wait3A_399, %dma_wait3A_400] : memref<10112x128xf32, #tpu.memory_space<vmem_shared>> -> memref<128x128xf32, #tpu.memory_space<vmem_shared>>
    %dma_wait3A_402 = arith.constant 0 : i32
    %dma_wait3A_403 = arith.constant 0 : i32
    %dma_wait3A_404 = tpu.memref_slice %arg12[%dma_wait3A_402, %dma_wait3A_403] : memref<10112x128xf32, #tpu.memory_space<vmem_shared>> -> memref<128x128xf32, #tpu.memory_space<vmem_shared>>
    tpu.wait_dma2 semaphore(%arg15 : memref<!tpu.dma_semaphore, #tpu.memory_space<semaphore_mem>>) src(%arg10 : memref<128x128xf32, #tpu.memory_space<vmem>>) dst(%dma_wait3A_404 : memref<128x128xf32, #tpu.memory_space<vmem_shared>>)
    %dma_wait3A_405 = arith.constant 0 : i32
    %dma_wait3A_406 = arith.constant 0 : i32
    %dma_wait3A_407 = tpu.memref_slice %arg12[%dma_wait3A_405, %dma_wait3A_406] : memref<10112x128xf32, #tpu.memory_space<vmem_shared>> -> memref<128x128xf32, #tpu.memory_space<vmem_shared>>
    %dma_wait3A_408 = arith.constant 0 : i32
    %dma_wait3A_409 = arith.constant 0 : i32
    %dma_wait3A_410 = tpu.memref_slice %arg12[%dma_wait3A_408, %dma_wait3A_409] : memref<10112x128xf32, #tpu.memory_space<vmem_shared>> -> memref<128x128xf32, #tpu.memory_space<vmem_shared>>
    tpu.wait_dma2 semaphore(%arg16 : memref<!tpu.dma_semaphore, #tpu.memory_space<semaphore_mem>>) src(%arg11 : memref<128x128xf32, #tpu.memory_space<vmem>>) dst(%dma_wait3A_410 : memref<128x128xf32, #tpu.memory_space<vmem_shared>>)
    %barrier3A_411 = arith.constant 0 : index
    tpu.barrier barrier_id(%barrier3A_411)
    %mul3A_412 = arith.constant 632 : i32
    %mul3A_413 = arith.muli %arg1, %mul3A_412 : i32
    %mul3A_414 = arith.constant 632 : i32
    %mul3A_415 = arith.muli %arg1, %mul3A_414 : i32
    "tpu.region"() ({
      %run_scoped3A = tpu.sem_alloc : memref<!tpu.dma_semaphore, #tpu.memory_space<semaphore_mem>>
      %dma_start3A_416 = arith.constant 0 : i32
      %dma_start3A_417 = tpu.memref_slice %arg5[%arg0, %mul3A_415, %dma_start3A_416] : memref<2x10112x128xf32, #tpu.memory_space<hbm>> -> memref<1x632x128xf32, #tpu.memory_space<hbm>>
      %dma_start3A_418 = tpu.memref_squeeze %dma_start3A_417 : memref<1x632x128xf32, #tpu.memory_space<hbm>> -> memref<632x128xf32, #tpu.memory_space<hbm>>
      %dma_start3A_419 = arith.constant 0 : i32
      %dma_start3A_420 = tpu.memref_slice %arg12[%mul3A_413, %dma_start3A_419] : memref<10112x128xf32, #tpu.memory_space<vmem_shared>> -> memref<632x128xf32, #tpu.memory_space<vmem_shared>>
      tpu.enqueue_dma source(%dma_start3A_420 : memref<632x128xf32, #tpu.memory_space<vmem_shared>>) target(%dma_start3A_418 : memref<632x128xf32, #tpu.memory_space<hbm>>) target_semaphore(%run_scoped3A : memref<!tpu.dma_semaphore, #tpu.memory_space<semaphore_mem>>)
      %dma_wait3A_421 = arith.constant 0 : i32
      %dma_wait3A_422 = tpu.memref_slice %arg5[%arg0, %mul3A_415, %dma_wait3A_421] : memref<2x10112x128xf32, #tpu.memory_space<hbm>> -> memref<1x632x128xf32, #tpu.memory_space<hbm>>
      %dma_wait3A_423 = tpu.memref_squeeze %dma_wait3A_422 : memref<1x632x128xf32, #tpu.memory_space<hbm>> -> memref<632x128xf32, #tpu.memory_space<hbm>>
      %dma_wait3A_424 = arith.constant 0 : i32
      %dma_wait3A_425 = tpu.memref_slice %arg12[%mul3A_413, %dma_wait3A_424] : memref<10112x128xf32, #tpu.memory_space<vmem_shared>> -> memref<632x128xf32, #tpu.memory_space<vmem_shared>>
      tpu.wait_dma2 semaphore(%run_scoped3A : memref<!tpu.dma_semaphore, #tpu.memory_space<semaphore_mem>>) src(%dma_wait3A_425 : memref<632x128xf32, #tpu.memory_space<vmem_shared>>) dst(%dma_wait3A_423 : memref<632x128xf32, #tpu.memory_space<hbm>>)
      tpu.yield
    }) : () -> ()
    return
  }
}

module attributes {stable_mosaic.version = 14 : i64} {
  func.func @_lstm_body(%arg0: i32, %arg1: memref<1000x128xf32, #tpu.memory_space<vmem>>, %arg2: memref<1x128x512xbf16, #tpu.memory_space<vmem>>, %arg3: memref<1x1x512xf32, #tpu.memory_space<vmem>>, %arg4: memref<1000x128xf32, #tpu.memory_space<vmem>>) attributes {dimension_semantics = [#tpu.dimension_semantics<arbitrary>], iteration_bounds = array<i64: 20>, scalar_prefetch = 0 : i64, scratch_operands = 0 : i64, tpu.core_type = #tpu.core_type<tc>, window_params = [{transform_indices = @transform_0, window_bounds = array<i64: 1000, 128>}, {transform_indices = @transform_1, window_bounds = array<i64: 1, 128, 512>}, {transform_indices = @transform_2, window_bounds = array<i64: 1, 1, 512>}, {transform_indices = @transform_3, window_bounds = array<i64: 1000, 128>}]} {
    %get3A = arith.constant 0 : index
    %get3A_0 = arith.constant 0 : index
    %get3A_1 = vector.load %arg1[%get3A, %get3A_0] : memref<1000x128xf32, #tpu.memory_space<vmem>>, vector<1000x128xf32>
    %convert_element_type3A = arith.truncf %get3A_1 : vector<1000x128xf32> to vector<1000x128xbf16>
    %get3A_2 = arith.constant 0 : index
    %get3A_3 = arith.constant 0 : index
    %get3A_4 = arith.constant 0 : index
    %get3A_5 = vector.load %arg2[%get3A_2, %get3A_3, %get3A_4] : memref<1x128x512xbf16, #tpu.memory_space<vmem>>, vector<1x128x512xbf16>
    %get3A_6 = vector.shape_cast %get3A_5 : vector<1x128x512xbf16> to vector<128x512xbf16>
    %dot_general3A = arith.constant dense<0.000000e+00> : vector<1000x512xf32>
    %dot_general3A_7 = tpu.matmul %convert_element_type3A, %get3A_6, %dot_general3A {dimension_numbers = #tpu.dot_dimension_numbers<[1], [0], [0], [1], [0, 0, 1, 1], [], []>, transpose_lhs_hint = false} : vector<1000x128xbf16>, vector<128x512xbf16>, vector<1000x512xf32> -> vector<1000x512xf32>
    %get3A_8 = arith.constant 0 : index
    %get3A_9 = arith.constant 0 : index
    %get3A_10 = arith.constant 0 : index
    %get3A_11 = vector.load %arg3[%get3A_8, %get3A_9, %get3A_10] : memref<1x1x512xf32, #tpu.memory_space<vmem>>, vector<1x1x512xf32>
    %get3A_12 = vector.shape_cast %get3A_11 : vector<1x1x512xf32> to vector<1x512xf32>
    %add3A = vector.broadcast %get3A_12 : vector<1x512xf32> to vector<1000x512xf32>
    %add3A_13 = arith.addf %dot_general3A_7, %add3A : vector<1000x512xf32>
    %slice3A = vector.extract_strided_slice %add3A_13 {offsets = [0, 0], sizes = [1000, 128], strides = [1, 1]} : vector<1000x512xf32> to vector<1000x128xf32>
    %slice3A_14 = vector.extract_strided_slice %add3A_13 {offsets = [0, 256], sizes = [1000, 128], strides = [1, 1]} : vector<1000x512xf32> to vector<1000x128xf32>
    %slice3A_15 = vector.extract_strided_slice %add3A_13 {offsets = [0, 384], sizes = [1000, 128], strides = [1, 1]} : vector<1000x512xf32> to vector<1000x128xf32>
    %mul3A = arith.constant 5.000000e-01 : f32
    %mul3A_16 = vector.broadcast %mul3A : f32 to vector<1000x128xf32>
    %mul3A_17 = arith.mulf %mul3A_16, %slice3A : vector<1000x128xf32>
    %tanh3A = math.tanh %mul3A_17 : vector<1000x128xf32>
    %mul3A_18 = arith.constant 5.000000e-01 : f32
    %mul3A_19 = vector.broadcast %mul3A_18 : f32 to vector<1000x128xf32>
    %mul3A_20 = arith.mulf %mul3A_19, %tanh3A : vector<1000x128xf32>
    %add3A_21 = arith.constant 5.000000e-01 : f32
    %add3A_22 = vector.broadcast %add3A_21 : f32 to vector<1000x128xf32>
    %add3A_23 = arith.addf %mul3A_20, %add3A_22 : vector<1000x128xf32>
    %mul3A_24 = arith.constant 5.000000e-01 : f32
    %mul3A_25 = vector.broadcast %mul3A_24 : f32 to vector<1000x128xf32>
    %mul3A_26 = arith.mulf %mul3A_25, %slice3A_15 : vector<1000x128xf32>
    %tanh3A_27 = math.tanh %mul3A_26 : vector<1000x128xf32>
    %mul3A_28 = arith.constant 5.000000e-01 : f32
    %mul3A_29 = vector.broadcast %mul3A_28 : f32 to vector<1000x128xf32>
    %mul3A_30 = arith.mulf %mul3A_29, %tanh3A_27 : vector<1000x128xf32>
    %add3A_31 = arith.constant 5.000000e-01 : f32
    %add3A_32 = vector.broadcast %add3A_31 : f32 to vector<1000x128xf32>
    %add3A_33 = arith.addf %mul3A_30, %add3A_32 : vector<1000x128xf32>
    %tanh3A_34 = math.tanh %slice3A_14 : vector<1000x128xf32>
    %mul3A_35 = arith.mulf %add3A_23, %tanh3A_34 : vector<1000x128xf32>
    %tanh3A_36 = math.tanh %mul3A_35 : vector<1000x128xf32>
    %mul3A_37 = arith.mulf %add3A_33, %tanh3A_36 : vector<1000x128xf32>
    %swap3A = arith.constant 0 : index
    %swap3A_38 = arith.constant 0 : index
    %swap3A_39 = vector.load %arg4[%swap3A, %swap3A_38] : memref<1000x128xf32, #tpu.memory_space<vmem>>, vector<1000x128xf32>
    tpu.vector_store %arg4[%swap3A, %swap3A_38], %mul3A_37 {strides = array<i32>} : memref<1000x128xf32, #tpu.memory_space<vmem>>, vector<1000x128xf32>,
    return
  }
  func.func @transform_0(%arg0: i32) -> (i32, i32) {
    %c0_i32 = arith.constant 0 : i32
    %c0_i32_0 = arith.constant 0 : i32
    return %arg0, %c0_i32 : i32, i32
  }
  func.func @transform_1(%arg0: i32) -> (i32, i32, i32) {
    %jit3A = arith.constant 10 : i32
    %div3A = arith.divsi %arg0, %jit3A : i32
    %sign3A = arith.constant 0 : i32
    %sign3A_0 = arith.cmpi sgt, %arg0, %sign3A : i32
    %sign3A_1 = arith.extui %sign3A_0 : i1 to i32
    %sign3A_2 = arith.constant 0 : i32
    %sign3A_3 = arith.cmpi slt, %arg0, %sign3A_2 : i32
    %sign3A_4 = arith.extui %sign3A_3 : i1 to i32
    %sign3A_5 = arith.subi %sign3A_1, %sign3A_4 : i32
    %sign3A_6 = arith.constant 0 : i32
    %sign3A_7 = arith.cmpi sgt, %jit3A, %sign3A_6 : i32
    %sign3A_8 = arith.extui %sign3A_7 : i1 to i32
    %sign3A_9 = arith.constant 0 : i32
    %sign3A_10 = arith.cmpi slt, %jit3A, %sign3A_9 : i32
    %sign3A_11 = arith.extui %sign3A_10 : i1 to i32
    %sign3A_12 = arith.subi %sign3A_8, %sign3A_11 : i32
    %ne3A = arith.cmpi ne, %sign3A_5, %sign3A_12 : i32
    %rem3A = arith.remsi %arg0, %jit3A : i32
    %ne3A_13 = arith.constant 0 : i32
    %ne3A_14 = arith.cmpi ne, %rem3A, %ne3A_13 : i32
    %and3A = arith.andi %ne3A, %ne3A_14 : i1
    %sub3A = arith.constant 1 : i32
    %sub3A_15 = arith.subi %div3A, %sub3A : i32
    %select_n3A = arith.select %and3A, %sub3A_15, %div3A : i32
    %c0_i32 = arith.constant 0 : i32
    %c0_i32_16 = arith.constant 0 : i32
    %c0_i32_17 = arith.constant 0 : i32
    return %select_n3A, %c0_i32, %c0_i32_16 : i32, i32, i32
  }
  func.func @transform_2(%arg0: i32) -> (i32, i32, i32) {
    %jit3A = arith.constant 10 : i32
    %div3A = arith.divsi %arg0, %jit3A : i32
    %sign3A = arith.constant 0 : i32
    %sign3A_0 = arith.cmpi sgt, %arg0, %sign3A : i32
    %sign3A_1 = arith.extui %sign3A_0 : i1 to i32
    %sign3A_2 = arith.constant 0 : i32
    %sign3A_3 = arith.cmpi slt, %arg0, %sign3A_2 : i32
    %sign3A_4 = arith.extui %sign3A_3 : i1 to i32
    %sign3A_5 = arith.subi %sign3A_1, %sign3A_4 : i32
    %sign3A_6 = arith.constant 0 : i32
    %sign3A_7 = arith.cmpi sgt, %jit3A, %sign3A_6 : i32
    %sign3A_8 = arith.extui %sign3A_7 : i1 to i32
    %sign3A_9 = arith.constant 0 : i32
    %sign3A_10 = arith.cmpi slt, %jit3A, %sign3A_9 : i32
    %sign3A_11 = arith.extui %sign3A_10 : i1 to i32
    %sign3A_12 = arith.subi %sign3A_8, %sign3A_11 : i32
    %ne3A = arith.cmpi ne, %sign3A_5, %sign3A_12 : i32
    %rem3A = arith.remsi %arg0, %jit3A : i32
    %ne3A_13 = arith.constant 0 : i32
    %ne3A_14 = arith.cmpi ne, %rem3A, %ne3A_13 : i32
    %and3A = arith.andi %ne3A, %ne3A_14 : i1
    %sub3A = arith.constant 1 : i32
    %sub3A_15 = arith.subi %div3A, %sub3A : i32
    %select_n3A = arith.select %and3A, %sub3A_15, %div3A : i32
    %c0_i32 = arith.constant 0 : i32
    %c0_i32_16 = arith.constant 0 : i32
    %c0_i32_17 = arith.constant 0 : i32
    return %select_n3A, %c0_i32, %c0_i32_16 : i32, i32, i32
  }
  func.func @transform_3(%arg0: i32) -> (i32, i32) {
    %c0_i32 = arith.constant 0 : i32
    %c0_i32_0 = arith.constant 0 : i32
    return %arg0, %c0_i32 : i32, i32
  }
}

module attributes {stable_mosaic.version = 14 : i64} {
  func.func @_out_body(%arg0: i32, %arg1: memref<1000x128xf32, #tpu.memory_space<vmem>>, %arg2: memref<1000x128xf32, #tpu.memory_space<vmem>>, %arg3: memref<128x128xbf16, #tpu.memory_space<vmem>>, %arg4: memref<128x128xbf16, #tpu.memory_space<vmem>>, %arg5: memref<1x128xf32, #tpu.memory_space<vmem>>, %arg6: memref<1000x128xf32, #tpu.memory_space<vmem>>) attributes {dimension_semantics = [#tpu.dimension_semantics<arbitrary>], iteration_bounds = array<i64: 10>, scalar_prefetch = 0 : i64, scratch_operands = 0 : i64, tpu.core_type = #tpu.core_type<tc>, window_params = [{transform_indices = @transform_0, window_bounds = array<i64: 1000, 128>}, {transform_indices = @transform_1, window_bounds = array<i64: 1000, 128>}, {pipeline_mode = #tpu.pipeline_mode<synchronous>, transform_indices = @transform_2, window_bounds = array<i64: 128, 128>}, {pipeline_mode = #tpu.pipeline_mode<synchronous>, transform_indices = @transform_3, window_bounds = array<i64: 128, 128>}, {pipeline_mode = #tpu.pipeline_mode<synchronous>, transform_indices = @transform_4, window_bounds = array<i64: 1, 128>}, {transform_indices = @transform_5, window_bounds = array<i64: 1000, 128>}]} {
    %get3A = arith.constant 0 : index
    %get3A_0 = arith.constant 0 : index
    %get3A_1 = vector.load %arg1[%get3A, %get3A_0] : memref<1000x128xf32, #tpu.memory_space<vmem>>, vector<1000x128xf32>
    %convert_element_type3A = arith.truncf %get3A_1 : vector<1000x128xf32> to vector<1000x128xbf16>
    %get3A_2 = arith.constant 0 : index
    %get3A_3 = arith.constant 0 : index
    %get3A_4 = vector.load %arg3[%get3A_2, %get3A_3] : memref<128x128xbf16, #tpu.memory_space<vmem>>, vector<128x128xbf16>
    %dot_general3A = arith.constant dense<0.000000e+00> : vector<1000x128xf32>
    %dot_general3A_5 = tpu.matmul %convert_element_type3A, %get3A_4, %dot_general3A {dimension_numbers = #tpu.dot_dimension_numbers<[1], [0], [0], [1], [0, 0, 1, 1], [], []>, transpose_lhs_hint = false} : vector<1000x128xbf16>, vector<128x128xbf16>, vector<1000x128xf32> -> vector<1000x128xf32>
    %get3A_6 = arith.constant 0 : index
    %get3A_7 = arith.constant 0 : index
    %get3A_8 = vector.load %arg2[%get3A_6, %get3A_7] : memref<1000x128xf32, #tpu.memory_space<vmem>>, vector<1000x128xf32>
    %convert_element_type3A_9 = arith.truncf %get3A_8 : vector<1000x128xf32> to vector<1000x128xbf16>
    %get3A_10 = arith.constant 0 : index
    %get3A_11 = arith.constant 0 : index
    %get3A_12 = vector.load %arg4[%get3A_10, %get3A_11] : memref<128x128xbf16, #tpu.memory_space<vmem>>, vector<128x128xbf16>
    %dot_general3A_13 = arith.constant dense<0.000000e+00> : vector<1000x128xf32>
    %dot_general3A_14 = tpu.matmul %convert_element_type3A_9, %get3A_12, %dot_general3A_13 {dimension_numbers = #tpu.dot_dimension_numbers<[1], [0], [0], [1], [0, 0, 1, 1], [], []>, transpose_lhs_hint = false} : vector<1000x128xbf16>, vector<128x128xbf16>, vector<1000x128xf32> -> vector<1000x128xf32>
    %add3A = arith.addf %dot_general3A_5, %dot_general3A_14 : vector<1000x128xf32>
    %get3A_15 = arith.constant 0 : index
    %get3A_16 = arith.constant 0 : index
    %get3A_17 = vector.load %arg5[%get3A_15, %get3A_16] : memref<1x128xf32, #tpu.memory_space<vmem>>, vector<1x128xf32>
    %add3A_18 = vector.broadcast %get3A_17 : vector<1x128xf32> to vector<1000x128xf32>
    %add3A_19 = arith.addf %add3A, %add3A_18 : vector<1000x128xf32>
    %max3A = arith.constant 0.000000e+00 : f32
    %max3A_20 = vector.broadcast %max3A : f32 to vector<1000x128xf32>
    %max3A_21 = arith.maximumf %add3A_19, %max3A_20 : vector<1000x128xf32>
    %swap3A = arith.constant 0 : index
    %swap3A_22 = arith.constant 0 : index
    %swap3A_23 = vector.load %arg6[%swap3A, %swap3A_22] : memref<1000x128xf32, #tpu.memory_space<vmem>>, vector<1000x128xf32>
    tpu.vector_store %arg6[%swap3A, %swap3A_22], %max3A_21 {strides = array<i32>} : memref<1000x128xf32, #tpu.memory_space<vmem>>, vector<1000x128xf32>,
    return
  }
  func.func @transform_0(%arg0: i32) -> (i32, i32) {
    %c0_i32 = arith.constant 0 : i32
    %c0_i32_0 = arith.constant 0 : i32
    return %arg0, %c0_i32 : i32, i32
  }
  func.func @transform_1(%arg0: i32) -> (i32, i32) {
    %c0_i32 = arith.constant 0 : i32
    %c0_i32_0 = arith.constant 0 : i32
    return %arg0, %c0_i32 : i32, i32
  }
  func.func @transform_2(%arg0: i32) -> (i32, i32) {
    %c0_i32 = arith.constant 0 : i32
    %c0_i32_0 = arith.constant 0 : i32
    %c0_i32_1 = arith.constant 0 : i32
    return %c0_i32, %c0_i32_0 : i32, i32
  }
  func.func @transform_3(%arg0: i32) -> (i32, i32) {
    %c0_i32 = arith.constant 0 : i32
    %c0_i32_0 = arith.constant 0 : i32
    %c0_i32_1 = arith.constant 0 : i32
    return %c0_i32, %c0_i32_0 : i32, i32
  }
  func.func @transform_4(%arg0: i32) -> (i32, i32) {
    %c0_i32 = arith.constant 0 : i32
    %c0_i32_0 = arith.constant 0 : i32
    %c0_i32_1 = arith.constant 0 : i32
    return %c0_i32, %c0_i32_0 : i32, i32
  }
  func.func @transform_5(%arg0: i32) -> (i32, i32) {
    %c0_i32 = arith.constant 0 : i32
    %c0_i32_0 = arith.constant 0 : i32
    return %arg0, %c0_i32 : i32, i32
  }
}

</mosaic_0001>

<sc_bundles>
// kernel: kernel.6.cloned.1.call-start
scs
__scs_entry_jumppad:
0x0: {  	(pc) =	sbr.rel $0x88, $3  }
0x1: {  	(tag) =	ssettag $0x0;
	lr =	simm.s32 $0x1  }
0x2: {  	[smem:$0x3F93] =	sst lr;
	_ =	strace $0xD0000000  }
0x3: {  	_ = 	snop  }
0x4: {  	_ = 	snop  }
0x5: {  	_ = 	snop  }
0x6: {  	_ = 	snop  }
0x7: {  	_ = 	snop  }
__scs_overlays_trampoline_lowered:
0x8: {  	[smem:$0x3FA2] =	sst s0  }
0x9: {  	[smem:$0x3FA3] =	sst s1  }
0xa: {  	[smem:$0x3FA4] =	sst s2  }
0xb: {  	[smem:$0x3FA5] =	sst s3  }
0xc: {  	[smem:$0x3FA6] =	sst s4  }
0xd: {  	[smem:$0x3FA7] =	sst s5  }
0xe: {  	[smem:$0x3FA8] =	sst s6  }
0xf: {  	[smem:$0x3FA9] =	sst s7  }
0x10: {  	[smem:$0x3FAA] =	sst s8  }
0x11: {  	[smem:$0x3FAB] =	sst s9;
	s0 =	simm.s32 @!p0 $0x0  }
0x12: {  	s1 =	sld [smem:$0x3F91];
	s0 =	simm.s32 @p0 $0x1  }
0x13: {  	[smem:$0x3FAC] =	sst s0;
	s0 =	simm.s32 @!p1 $0x0  }
0x14: {  	s2 =	sld [smem:$0x3F90];
	s0 =	simm.s32 @p1 $0x1  }
0x15: {  	[smem:$0x3FAD] =	sst s0;
	s0 =	simm.s32 @!p2 $0x0  }
0x16: {  	s3 =	sld [smem:$0x3FDB];
	s0 =	simm.s32 @p2 $0x1  }
0x17: {  	s4 =	simm.s32 $0x1BF5;
	[smem:$0x3FAF] =	sst s0  }
0x18: {  	s0 =	sld [smem:$0x3F92];
	_ =	swait.ge [sflag:s4], $0x0  }
0x19: {  	s7 =	sld [smem:$0x3F93]  }
0x1a: {  	s8 =	sadd.s32 $0xFFFFE003, lr  }
0x1b: {  	s9 =	sadd.s32 $0xFFFFFEF7, lr;
	s5 =	simm.s32 $0xFFFFFFFF;
	p2 =	slt.u32 s8, $0xFFFFF086  }
0x1c: {  	p1 =	slt.u32 s9, $0xF7A;
	s5 =	simm.s32 @!p2 $0x0  }
0x1d: {  	s5 =	simm.s32 @p1 $0x1;
	p0 =	seq.s32 s7, s2  }
0x1e: {  	s7 =	smul.u32 @!p0 $0xF7A, s2;
	p2 =	seq.s32 @!p0 s5, $0x0  }
0x1f: {  	s9 =	smul.u32 $0xF7A, s1;
	s8 =	simm.s32 @!p0 $0x1BF5;
	p2 =	por !p2, p0  }
0x20: {  	[sflag:s8] =	ssyncset.s32 @!p0 $0xFFFFF086;
	s6 =	sadd.s32 @!p0 s3, s7;
	s7 =	simm.s32 @!p0 $0x108  }
0x21: {  	s3 =	sadd.s32 s3, s9;
	s6 =	sadd.s32 @!p0 $0x88, s6;
	s7 =	simm.s32 @p2 $0x1082  }
0x22: {  	[simem:s7], [sflag:s8] =	dma.local @!p0 [hbm:s6], $0xF7A  }
0x23: {  	s9 =	sor.u32 $0xD0000000, s2;
	s6 =	simm.s32 $0x108;
	_ =	swait.ge @!p0 [sflag:s8], $0x0  }
0x24: {  	s3 =	sadd.s32 $0x88, s3;
	s6 =	simm.s32 @!p1 $0x1082;
	[sflag:s4] =	ssyncset.s32 $0xFFFFF086  }
0x25: {  	[simem:s6], [sflag:s4] =	dma.local [hbm:s3], $0xF7A  }
0x26: {  	[smem:$0x3F93] =	sst s1;
	(tag) =	ssettag s2;
	_ =	strace s9  }
0x27: {  	s1 =	sld [smem:$0x3FA3]  }
0x28: {  	s2 =	sld [smem:$0x3FA4]  }
0x29: {  	s4 =	sld [smem:$0x3FA6]  }
0x2a: {  	p0 =	seq.s32 s5, $0x0;
	s5 =	sld [smem:$0x3FA7]  }
0x2b: {  	s6 =	sld [smem:$0x3FA8]  }
0x2c: {  	s7 =	sld [smem:$0x3FA9]  }
0x2d: {  	s3 =	simm.s32 $0x108;
	s8 =	sld [smem:$0x3FAA]  }
0x2e: {  	s3 =	simm.s32 @!p0 $0x1082;
	s9 =	sld [smem:$0x3FAB]  }
0x2f: {  	lr =	sadd.s32 s0, s3;
	s0 =	sld [smem:$0x3FA2]  }
0x30: {  	s3 =	sld [smem:$0x3FA5]  }
0x31: {  	[smem:$0x3FAE] =	sst s10  }
0x32: {  	s10 =	sld [smem:$0x3FAC];
	_ =	sdelay $0x3  }
0x33: {  	p0 =	seq.s32 s10, $0x1;
	s10 =	sld [smem:$0x3FAE];
	_ =	sdelay $0x3  }
0x34: {  	[smem:$0x3FAE] =	sst s10  }
0x35: {  	s10 =	sld [smem:$0x3FAD];
	_ =	sdelay $0x3  }
0x36: {  	p1 =	seq.s32 s10, $0x1;
	s10 =	sld [smem:$0x3FAE];
	_ =	sdelay $0x3  }
0x37: {  	[smem:$0x3FAE] =	sst s10  }
0x38: {  	s10 =	sld [smem:$0x3FAF]  }
0x39: {  	_ = 	snop;
	(pc) =	sbr.ind lr, $3  }
0x3a: {  	_ = 	snop  }
0x3b: {  	_ = 	snop  }
0x3c: {  	p2 =	seq.s32 s10, $0x1;
	s10 =	sld [smem:$0x3FAE]  }
0x3d: {  	_ =	shalt  }
0x3e: {  	_ =	shalt  }
0x3f: {  	_ =	shalt  }
0x40: {  	_ =	shalt  }
0x41: {  	_ =	shalt  }
0x42: {  	_ =	shalt  }
0x43: {  	_ =	shalt  }
0x44: {  	_ =	shalt  }
0x45: {  	_ =	shalt  }
0x46: {  	_ =	shalt  }
0x47: {  	_ =	shalt  }
0x48: {  	_ =	shalt  }
0x49: {  	_ =	shalt  }
0x4a: {  	_ =	shalt  }
0x4b: {  	_ =	shalt  }
0x4c: {  	_ =	shalt  }
0x4d: {  	_ =	shalt  }
0x4e: {  	_ =	shalt  }
0x4f: {  	_ =	shalt  }
0x50: {  	_ =	shalt  }
0x51: {  	_ =	shalt  }
0x52: {  	_ =	shalt  }
0x53: {  	_ =	shalt  }
0x54: {  	_ =	shalt  }
0x55: {  	_ =	shalt  }
0x56: {  	_ =	shalt  }
0x57: {  	_ =	shalt  }
0x58: {  	_ =	shalt  }
0x59: {  	_ =	shalt  }
0x5a: {  	_ =	shalt  }
0x5b: {  	_ =	shalt  }
0x5c: {  	_ =	shalt  }
0x5d: {  	_ =	shalt  }
0x5e: {  	_ =	shalt  }
0x5f: {  	_ =	shalt  }
0x60: {  	_ =	shalt  }
0x61: {  	_ =	shalt  }
0x62: {  	_ =	shalt  }
0x63: {  	_ =	shalt  }
0x64: {  	_ =	shalt  }
0x65: {  	_ =	shalt  }
0x66: {  	_ =	shalt  }
0x67: {  	_ =	shalt  }
0x68: {  	_ =	shalt  }
0x69: {  	_ =	shalt  }
0x6a: {  	_ =	shalt  }
0x6b: {  	_ =	shalt  }
0x6c: {  	_ =	shalt  }
0x6d: {  	_ =	shalt  }
0x6e: {  	_ =	shalt  }
0x6f: {  	_ =	shalt  }
0x70: {  	_ =	shalt  }
0x71: {  	_ =	shalt  }
0x72: {  	_ =	shalt  }
0x73: {  	_ =	shalt  }
0x74: {  	_ =	shalt  }
0x75: {  	_ =	shalt  }
0x76: {  	_ =	shalt  }
0x77: {  	_ =	shalt  }
0x78: {  	_ =	shalt  }
0x79: {  	_ =	shalt  }
0x7a: {  	_ =	shalt  }
0x7b: {  	_ =	shalt  }
0x7c: {  	_ =	shalt  }
0x7d: {  	_ =	shalt  }
0x7e: {  	_ =	shalt  }
0x7f: {  	_ =	shalt  }
0x80: {  	_ =	shalt  }
0x81: {  	_ =	shalt  }
0x82: {  	_ =	shalt  }
0x83: {  	_ =	shalt  }
0x84: {  	_ =	shalt  }
0x85: {  	_ =	shalt  }
0x86: {  	_ =	shalt  }
0x87: {  	_ =	shalt  }
.Lfunc_end0:
.L_simem_size_0:
called_computation_lowered:
.L_overlay_start_0:
0x88: {  	s2 =	sld [smem:$0x3FD9]  }
0x89: {  	s3 =	sld [smem:$0x3FFE];
	_ =	sdelay $0x1  }
0x8a: {  	s1 =	srdreg.scid  }
0x8b: {  	s0 =	sand.u32 $0x1, s1  }
0x8c: {  	s14 =	sshll.u32 s0, $0xA;
	s2 =	sadd.s32 s3, s2  }
0x8d: {  	s2 =	sadd.s32 s2, s14  }
0x8e: {  	[smem:$0x3FBA] =	sst s2  }
0x8f: {  	_ = 	snop  }
0x90: {  	s2 =	sld [smem:$0x3FD0];
	_ =	sdelay $0x2  }
0x91: {  	s15 =	simm.s32 $0xA;
	s4 =	simm.s32 $0x10  }
0x92: {  	[smem:s4], [sflag:s15] =	dma.local [hbm:s2], $0x1  }
0x93: {  	_ =	swait.eq [sflag:s15], $0x1  }
0x94: {  	[sflag:s15] =	ssyncset.done $0x0  }
0x95: {  	s16 =	sld [smem:$0x10];
	[sflag:s15] =	ssyncadd.s32 $0xFFFFFFFF  }
0x96: {  	s17 =	sld [smem:$0x11];
	(tm) =	ssettm $0x1  }
0x97: {  	s18 =	sld [smem:$0x3FFB];
	_ =	sdelay $0x3  }
0x98: {  	_ =	strace s18  }
0x99: {  	s4 =	sld [smem:$0x3FFC];
	_ =	sdelay $0x3  }
0x9a: {  	_ =	strace s4  }
0x9b: {  	s4 =	sld [smem:$0x3FFD];
	_ =	sdelay $0x3  }
0x9c: {  	_ =	strace s4  }
0x9d: {  	_ =	strace $0x8FFFFFFF  }
0x9e: {  	s19 =	sld [smem:$0x3FDB];
	_ =	sdelay $0x1  }
0x9f: {  	s5 =	simm.s32 $_scs_section_size  }
0xa0: {  	s6 =	simm.s32 $_size__tile_overlayer_lowered;
	s7 =	simm.s32 $_tile_overlayer_lowered  }
0xa1: {  	s22 =	simm.s32 $0x1BFF;
	s21 =	sshll.u32 s7, $0x1;
	s4 =	sadd.s32 s5, s19  }
0xa2: {  	s8 =	simm.s32 $0x0;
	s20 =	sshll.u32 s6, $0x1;
	s6 =	sadd.s32 s21, s4  }
0xa3: {  	[timem:s8], [sflag:s22] =	dma.local [hbm:s6], s20  }
0xa4: {  	_ =	swait.ge [sflag:s22], s20  }
0xa5: {  	s5 =	ssub.s32 $0x0, s20;
	[sflag:s22] =	ssyncset.done $0x0  }
0xa6: {  	[sflag:s22] =	ssyncadd.s32 s5;
	_ =	sdelay $0x1  }
0xa7: {  	s23 =	simm.s32 $0x1B8B  }
0xa8: {  	_ =	swait.ge [sflag:s23], $0x1  }
0xa9: {  	[sflag:s23] =	ssyncset.done $0x0  }
0xaa: {  	s25 =	simm.s32 $0x1B8E;
	s24 =	sld [smem:$0x3FFE];
	[sflag:s23] =	ssyncadd.s32 $0xFFFFFFFF  }
0xab: {  	s26 =	simm.s32 $execute0_lowered;
	[smem:$0x3FD2] =	sst s25  }
0xac: {  	s6 =	sshll.u32 s26, $0x1;
	_ =	strace $0x80000046;
	[dreg:$0x1] =	wrdreg $0xFFFFFFFF  }
0xad: {  	s28 =	simm.s32 $_size_execute0_lowered;
	s4 =	sadd.s32 s4, s6;
	[dreg:$0x0] =	wrdreg $0x0  }
0xae: {  	s6 =	sshll.u32 s28, $0x1;
	[dreg:$0x2] =	wrdreg s4  }
0xaf: {  	[dreg:$0x3] =	wrdreg s6  }
0xb0: {  	[dreg:$0x4] =	wrdreg $0xC0  }
0xb1: {  	_ =	task [dreg:s8], $0x5FFFF  }
0xb2: {  	[dreg:$0x1] =	wrdreg $0xFFFFFFFF  }
0xb3: {  	[dreg:$0x0] =	wrdreg $0x60  }
0xb4: {  	[dreg:$0x2] =	wrdreg s24  }
0xb5: {  	[dreg:$0x3] =	wrdreg s17  }
0xb6: {  	[dreg:$0x4] =	wrdreg s16  }
0xb7: {  	[dreg:$0x5] =	wrdreg $0xC0000  }
0xb8: {  	[dreg:$0x6] =	wrdreg $0x9  }
0xb9: {  	_ =	task.clear_ibuf [dreg:s8], $0x7FFFF;
	_ =	strace $0x90000046  }
0xba: {  	s29 =	simm.s32 $0x9;
	_ =	strace $0x80000048  }
0xbb: {  	_ =	swait.ge [sflag:s29], $0x1  }
0xbc: {  	[sflag:s29] =	ssyncadd.s32 $0xFFFFFFFF  }
0xbd: {  	_ =	strace $0x90000048  }
0xbe: {  	_ =	sfence  }
0xbf: {  	s30 =	sld [smem:$0x0];
	_ =	sdelay $0x2  }
0xc0: {  	s31 =	sshll.u32 s1, $0xD;
	s1 =	sshrl.u32 s1, $0x2  }
0xc1: {  	s3 =	sand.u32 $0x4000, s31;
	s1 =	sadd.s32 s1, s30  }
0xc2: {  	s0 =	sor.u32 s3, s0;
	s1 =	sshll.u32 s1, $0x11  }
0xc3: {  	s0 =	sor.u32 s1, s0  }
0xc4: {  	s0 =	sadd.s32 $0x8F2B, s0  }
0xc5: {  	[sflag:s0] =	ssyncadd.remote.s32 $0x1  }
0xc6: {  	_ =	sfence.sel $0xFFFF  }
0xc7: {  	[dreg:$0x0] =	wrdreg $0xFFFFFFFF;
	(pc) =	sbr.abs _section_cstart, $3  }
0xc8: {  	[dreg:$0x1] =	wrdreg $0xFFFFFFFF  }
0xc9: {  	_ =	task.clear_ibuf [dreg:s8], $0x2FFFF;
	_ =	strace $0x9FFFFFFF  }
0xca: {  	(tm) =	ssettm $0x7FFFFFFF  }
0xcb: {  	_ =	shalt  }
tec
execute0_lowered:
.L_overlay_start_1:
0x0: {  	(tag) =	ssettag $0x1  }
0x1: {  	s0 =	rddreg [dreg:$0x0]  }
0x2: {  	s1 =	rddreg [dreg:$0x1]  }
0x3: {  	s2 =	srdreg.scid;
	s10 =	stileid.u32  }
0x4: {  	s6 =	rddreg [dreg:$0x2];
	s3 =	simm.s32 $0x0;
	s7 =	smul.u32 $0x13C00, s10  }
0x5: {  	s28 =	simm.s32 $0x3000;
	s29 =	simm.s32 $0x80;
	s14 =	smul.u32 $0xA0, s10  }
0x6: {  	s30 =	simm.s32 $0x1;
	s5 =	sand.u32 $0x1, s2;
	s10 =	smul.u32 $0x4F000, s10  }
0x7: {  	s31 =	simm.s32 $0x8000;
	s2 =	rddreg [dreg:$0x3];
	s4 =	smul.u32 $0x13C000, s5  }
0x8: {  	[smem:$0x7FF] =	sst s3;
	s8 =	smul.u32 $0xA00, s5;
	s5 =	ssub.s32 $0x2, s5  }
0x9: {  	_ =	strace $0x80000047;
	s15 =	sshrl.u32 s5, $0x1;
	s16 =	sshrl.u32 s10, $0x2  }
0xa: {  	s10 =	simm.s32 $0x0;
	s4 =	sadd.s32 s7, s4;
	s7 =	sadd.s32 s14, s8  }
0xb: {  	s9 =	sshrl.u32 s4, $0x3;
	s4 =	sadd.s32 $0x1800, s0;
	s7 =	sshll.u32 s7, $0x4  }
0xc: {  	s0 =	sadd.s32 s9, s0;
	s9 =	ssub.s32 s5, s15;
	s5 =	sadd.s32 s16, s2  }
0xd: {  	s17 =	sadd.s32 s1, s7;
	s18 =	sadd.s32 s6, s7;
	s22 =	sadd.s32 $0x200, s7  }
0xe: {  	s25 =	sadd.s32 $0x400, s7;
	s26 =	sadd.s32 $0x600, s7;
	[dreg:$0x5] =	wrdreg s17  }
0xf: {  	s7 =	sadd.s32 $0x800, s7;
	[dreg:$0x6] =	wrdreg s18;
	s19 =	sadd.s32 $0x4000, s5  }
0x10: {  	s20 =	sadd.s32 $0x8000, s5;
	s21 =	sadd.s32 $0xC000, s5;
	s23 =	sadd.s32 $0x10000, s5  }
0x11: {  	s24 =	sadd.s32 s1, s22;
	s8 =	sadd.s32 s6, s22;
	[dreg:$0x7] =	wrdreg s19  }
0x12: {  	s14 =	sadd.s32 s1, s25;
	s15 =	sadd.s32 s6, s25;
	[dreg:$0x8] =	wrdreg s20  }
0x13: {  	s16 =	sadd.s32 s1, s26;
	s17 =	sadd.s32 s6, s26;
	[dreg:$0x9] =	wrdreg s21  }
0x14: {  	s18 =	sadd.s32 s1, s7;
	s22 =	simm.s32 $0x1000;
	[dreg:$0xa] =	wrdreg s23  }
0x15: {  	s25 =	simm.s32 $0x5;
	s26 =	simm.s32 $0x2000;
	[dreg:$0xb] =	wrdreg s24  }
0x16: {  	s1 =	simm.s32 $0x2;
	[dreg:$0xc] =	wrdreg s8;
	s19 =	sadd.s32 s6, s7  }
0x17: {  	s20 =	sadd.s32 $0x4FA00, s0;
	s21 =	smax.u32 s9, $0x1;
	s23 =	simm.s32 $0x4000  }
0x18: {  	s24 =	simm.s32 $0x6;
	s0 =	simm.s32 $0x3;
	s6 =	simm.s32 $0x4  }
0x19: {  	v0 =	vimm.f32 $0.0e+00;
	s7 =	simm.s32 $0x1F80;
	s8 =	simm.s32 $0x2080;
	s9 =	simm.s32 $0x3F80  }
.LBB2_1:
0x1a: {  	s11 =	rddreg [dreg:$0x5]  }
0x1b: {  	[tilespmem:s3], [sflag:$0x5] =	stream.linear.gather [hbm4b:s11+s3], $0x1000, $0x38;
	[tilespmem:$0x1FC00] =	vst v63  }
0x1c: {  	s13 =	rddreg [dreg:$0x6];
	s12 =	simm.s32 $0x200;
	s11 =	simm.s32 $0x0  }
0x1d: {  	[tilespmem:s22], [sflag:$0x5] =	stream.linear.gather [hbm4b:s13+s3], $0x1000, $0x38;
	[tilespmem:$0x1FC00] =	vst v63  }
.LBB2_2:
0x1e: {  	p0 =	sne.s32 s12, $0xFE00;
	[tilespmem:s11+$0x4070] =	vst v0  }
0x1f: {  	[tilespmem:s11+$0x4000] =	vst v0  }
0x20: {  	[tilespmem:s11+$0x4010] =	vst v0  }
.Ltmp0:
0x21: {  	[tilespmem:s11+$0x4020] =	vst v0;
	(pc) =	sbr.rel @p0 .LBB2_2-.Ltmp0, $4  }
0x22: {  	[tilespmem:s11+$0x4030] =	vst v0  }
0x23: {  	[tilespmem:s11+$0x4040] =	vst v0  }
0x24: {  	[tilespmem:s11+$0x4050] =	vst v0  }
0x25: {  	[tilespmem:s11+$0x4060] =	vst v0;
	s11 =	sshra.s32 s12, $0x2;
	s12 =	sadd.s32 $0x200, s12  }
0x26: {  	[tilespmem:s11+$0x4070] =	vst v0  }
0x27: {  	[tilespmem:s11+$0x4000] =	vst v0  }
0x28: {  	[tilespmem:s11+$0x4010] =	vst v0  }
0x29: {  	[tilespmem:s11+$0x4020] =	vst v0  }
0x2a: {  	[tilespmem:s11+$0x4030] =	vst v0  }
0x2b: {  	[tilespmem:s11+$0x4040] =	vst v0  }
0x2c: {  	[tilespmem:s11+$0x4050] =	vst v0  }
0x2d: {  	[tilespmem:s11+$0x4060] =	vst v0  }
0x2e: {  	[spmem:s5] =	stream.linear.scatter [tilespmem:s23], [sflag:$0x6], $0x4000, $0x38;
	[tilespmem:$0x1FC00] =	vst v63  }
0x2f: {  	_ =	swait.ge [sflag:s24], $0x4000  }
0x30: {  	[sflag:s24] =	ssyncset.done $0x0  }
0x31: {  	s13 =	rddreg [dreg:$0x7];
	[sflag:s24] =	ssyncadd.s32 $0xFFFFC000  }
0x32: {  	[spmem:s13] =	stream.linear.scatter [tilespmem:s23], [sflag:$0x6], $0x4000, $0x38;
	[tilespmem:$0x1FC00] =	vst v63  }
0x33: {  	_ =	swait.ge [sflag:s24], $0x4000  }
0x34: {  	[sflag:s24] =	ssyncset.done $0x0  }
0x35: {  	s12 =	rddreg [dreg:$0x8];
	[sflag:s24] =	ssyncadd.s32 $0xFFFFC000  }
0x36: {  	[spmem:s12] =	stream.linear.scatter [tilespmem:s23], [sflag:$0x6], $0x4000, $0x38;
	[tilespmem:$0x1FC00] =	vst v63  }
0x37: {  	_ =	swait.ge [sflag:s24], $0x4000  }
0x38: {  	[sflag:s24] =	ssyncset.done $0x0  }
0x39: {  	s13 =	rddreg [dreg:$0x9];
	[sflag:s24] =	ssyncadd.s32 $0xFFFFC000  }
0x3a: {  	[spmem:s13] =	stream.linear.scatter [tilespmem:s23], [sflag:$0x6], $0x4000, $0x38;
	[tilespmem:$0x1FC00] =	vst v63  }
0x3b: {  	_ =	swait.ge [sflag:s24], $0x4000  }
0x3c: {  	[sflag:s24] =	ssyncset.done $0x0  }
0x3d: {  	s12 =	rddreg [dreg:$0xa];
	[sflag:s24] =	ssyncadd.s32 $0xFFFFC000  }
0x3e: {  	[spmem:s12] =	stream.linear.scatter [tilespmem:s23], [sflag:$0x6], $0x3C00, $0x38;
	[tilespmem:$0x1FC00] =	vst v63  }
0x3f: {  	_ =	swait.ge [sflag:s24], $0x3C00  }
0x40: {  	[sflag:s24] =	ssyncset.done $0x0  }
0x41: {  	[sflag:s24] =	ssyncadd.s32 $0xFFFFC400  }
0x42: {  	_ =	swait.ge [sflag:s25], $0x1000  }
0x43: {  	[sflag:s25] =	ssyncset.done $0x0  }
0x44: {  	[sflag:s25] =	ssyncadd.s32 $0xFFFFF000  }
0x45: {  	_ =	swait.ge [sflag:s25], $0x1000  }
0x46: {  	[sflag:s25] =	ssyncset.done $0x0  }
0x47: {  	[sflag:s25] =	ssyncadd.s32 $0xFFFFF000  }
0x48: {  	[bflag:$0x0] =	sbarrier.arrive $0xFFFF  }
0x49: {  	s13 =	rddreg [dreg:$0xb]  }
0x4a: {  	[tilespmem:s26], [sflag:$0x5] =	stream.linear.gather [hbm4b:s13+s3], $0x1000, $0x38;
	[tilespmem:$0x1FC00] =	vst v63  }
0x4b: {  	s12 =	rddreg [dreg:$0xc]  }
0x4c: {  	[tilespmem:s28], [sflag:$0x5] =	stream.linear.gather [hbm4b:s12+s3], $0x1000, $0x38;
	[tilespmem:$0x1FC00] =	vst v63  }
0x4d: {  	_ = 	snop  }
0x4e: {  	[tilespmem:s23], [sflag:$0x1] =	stream.indirect.gather [hbm4b:s4+s29], $0x80, s3, s29, $0xb8;
	[tilespmem:$0x1FC00] =	vst v63  }
0x4f: {  	_ =	swait.ge [sflag:s30], $0x4000  }
0x50: {  	[sflag:s30] =	ssyncset.done $0x0  }
0x51: {  	[sflag:s30] =	ssyncadd.s32 $0xFFFFC000  }
0x52: {  	[spmem:s2] =	stream.indirect.scatter.add.f32 [tilespmem:s23], [sflag:$0x3], $0x80, s22, s29, $0xb8;
	[tilespmem:$0x1FC00] =	vst v63  }
0x53: {  	_ = 	snop  }
0x54: {  	[tilespmem:s31], [sflag:$0x2] =	stream.indirect.gather [hbm4b:s4+s29], $0x80, s29, s29, $0xb8;
	[tilespmem:$0x1FC00] =	vst v63  }
0x55: {  	_ =	swait.ge [sflag:s1], $0x4000  }
0x56: {  	[sflag:s1] =	ssyncset.done $0x0  }
0x57: {  	s13 =	simm.s32 $0x1080;
	[sflag:s1] =	ssyncadd.s32 $0xFFFFC000  }
0x58: {  	[spmem:s2] =	stream.indirect.scatter.add.f32 [tilespmem:s31], [sflag:$0x4], $0x80, s13, s29, $0xb8;
	[tilespmem:$0x1FC00] =	vst v63  }
0x59: {  	_ =	swait.ge [sflag:s0], $0x4000  }
0x5a: {  	[sflag:s0] =	ssyncset.done $0x0  }
0x5b: {  	s12 =	simm.s32 $0x100;
	[sflag:s0] =	ssyncadd.s32 $0xFFFFC000  }
0x5c: {  	[tilespmem:s23], [sflag:$0x1] =	stream.indirect.gather [hbm4b:s4+s29], $0x80, s12, s29, $0xb8;
	[tilespmem:$0x1FC00] =	vst v63  }
0x5d: {  	_ =	swait.ge [sflag:s30], $0x4000  }
0x5e: {  	[sflag:s30] =	ssyncset.done $0x0  }
0x5f: {  	s13 =	simm.s32 $0x1100;
	[sflag:s30] =	ssyncadd.s32 $0xFFFFC000  }
0x60: {  	[spmem:s2] =	stream.indirect.scatter.add.f32 [tilespmem:s23], [sflag:$0x3], $0x80, s13, s29, $0xb8;
	[tilespmem:$0x1FC00] =	vst v63  }
0x61: {  	_ =	swait.ge [sflag:s6], $0x4000  }
0x62: {  	[sflag:s6] =	ssyncset.done $0x0  }
0x63: {  	s11 =	simm.s32 $0xFFFFC800;
	s12 =	simm.s32 $0x180;
	[sflag:s6] =	ssyncadd.s32 $0xFFFFC000  }
.LBB2_4:
0x64: {  	[tilespmem:s31], [sflag:$0x2] =	stream.indirect.gather [hbm4b:s4+s29], $0x80, s12, s29, $0xb8;
	[tilespmem:$0x1FC00] =	vst v63  }
0x65: {  	s12 =	smov.u32 s11  }
0x66: {  	p0 =	sne.s32 s11, $0xFFFFFC00;
	s11 =	sadd.s32 $0x400, s11;
	_ =	swait.ge [sflag:s1], $0x4000  }
0x67: {  	s12 =	sshra.s32 s12, $0x2;
	[sflag:s1] =	ssyncset.done $0x0  }
0x68: {  	s13 =	sadd.s32 $0x1F80, s12;
	[sflag:s1] =	ssyncadd.s32 $0xFFFFC000  }
0x69: {  	[spmem:s2] =	stream.indirect.scatter.add.f32 [tilespmem:s31], [sflag:$0x4], $0x80, s13, s29, $0xb8;
	[tilespmem:$0x1FC00] =	vst v63  }
0x6a: {  	_ =	swait.ge [sflag:s0], $0x4000  }
0x6b: {  	[sflag:s0] =	ssyncset.done $0x0  }
0x6c: {  	s13 =	sadd.s32 $0x1000, s12;
	[sflag:s0] =	ssyncadd.s32 $0xFFFFC000  }
0x6d: {  	[tilespmem:s23], [sflag:$0x1] =	stream.indirect.gather [hbm4b:s4+s29], $0x80, s13, s29, $0xb8;
	[tilespmem:$0x1FC00] =	vst v63  }
0x6e: {  	_ =	swait.ge [sflag:s30], $0x4000  }
0x6f: {  	[sflag:s30] =	ssyncset.done $0x0  }
.Ltmp1:
0x70: {  	s13 =	sadd.s32 $0x2000, s12;
	[sflag:s30] =	ssyncadd.s32 $0xFFFFC000;
	(pc) =	sbr.rel @p0 .LBB2_4-.Ltmp1, $4  }
0x71: {  	[spmem:s2] =	stream.indirect.scatter.add.f32 [tilespmem:s23], [sflag:$0x3], $0x80, s13, s29, $0xb8;
	[tilespmem:$0x1FC00] =	vst v63  }
0x72: {  	_ =	swait.ge [sflag:s6], $0x4000  }
0x73: {  	[sflag:s6] =	ssyncset.done $0x0  }
0x74: {  	s12 =	sadd.s32 $0x1080, s12;
	[sflag:s6] =	ssyncadd.s32 $0xFFFFC000  }
0x75: {  	[tilespmem:s31], [sflag:$0x2] =	stream.indirect.gather [hbm4b:s4+s29], $0x80, s12, s29, $0xb8;
	[tilespmem:$0x1FC00] =	vst v63  }
0x76: {  	_ =	swait.ge [sflag:s1], $0x4000  }
0x77: {  	[sflag:s1] =	ssyncset.done $0x0  }
0x78: {  	[sflag:s1] =	ssyncadd.s32 $0xFFFFC000  }
0x79: {  	[spmem:s2] =	stream.indirect.scatter.add.f32 [tilespmem:s31], [sflag:$0x4], $0x80, s7, s29, $0xb8;
	[tilespmem:$0x1FC00] =	vst v63  }
0x7a: {  	_ =	swait.ge [sflag:s0], $0x4000  }
0x7b: {  	[sflag:s0] =	ssyncset.done $0x0  }
0x7c: {  	[sflag:s0] =	ssyncadd.s32 $0xFFFFC000  }
0x7d: {  	_ =	swait.ge [sflag:s6], $0x4000  }
0x7e: {  	[sflag:s6] =	ssyncset.done $0x0  }
0x7f: {  	[sflag:s6] =	ssyncadd.s32 $0xFFFFC000  }
0x80: {  	_ =	swait.ge [sflag:s25], $0x1000  }
0x81: {  	[sflag:s25] =	ssyncset.done $0x0  }
0x82: {  	[sflag:s25] =	ssyncadd.s32 $0xFFFFF000  }
0x83: {  	_ =	swait.ge [sflag:s25], $0x1000  }
0x84: {  	[sflag:s25] =	ssyncset.done $0x0  }
0x85: {  	[sflag:s25] =	ssyncadd.s32 $0xFFFFF000  }
0x86: {  	[tilespmem:s3], [sflag:$0x5] =	stream.linear.gather [hbm4b:s14+s3], $0x1000, $0x38;
	[tilespmem:$0x1FC00] =	vst v63  }
0x87: {  	_ = 	snop  }
0x88: {  	[tilespmem:s22], [sflag:$0x5] =	stream.linear.gather [hbm4b:s15+s3], $0x1000, $0x38;
	[tilespmem:$0x1FC00] =	vst v63  }
0x89: {  	_ = 	snop  }
0x8a: {  	[tilespmem:s23], [sflag:$0x1] =	stream.indirect.gather [hbm4b:s4+s29], $0x80, s26, s29, $0xb8;
	[tilespmem:$0x1FC00] =	vst v63  }
0x8b: {  	_ =	swait.ge [sflag:s30], $0x4000  }
0x8c: {  	[sflag:s30] =	ssyncset.done $0x0  }
0x8d: {  	[sflag:s30] =	ssyncadd.s32 $0xFFFFC000  }
0x8e: {  	[spmem:s2] =	stream.indirect.scatter.add.f32 [tilespmem:s23], [sflag:$0x3], $0x80, s28, s29, $0xb8;
	[tilespmem:$0x1FC00] =	vst v63  }
0x8f: {  	_ = 	snop  }
0x90: {  	[tilespmem:s31], [sflag:$0x2] =	stream.indirect.gather [hbm4b:s4+s29], $0x80, s8, s29, $0xb8;
	[tilespmem:$0x1FC00] =	vst v63  }
0x91: {  	_ =	swait.ge [sflag:s1], $0x4000  }
0x92: {  	[sflag:s1] =	ssyncset.done $0x0  }
0x93: {  	s11 =	simm.s32 $0x3080;
	[sflag:s1] =	ssyncadd.s32 $0xFFFFC000  }
0x94: {  	[spmem:s2] =	stream.indirect.scatter.add.f32 [tilespmem:s31], [sflag:$0x4], $0x80, s11, s29, $0xb8;
	[tilespmem:$0x1FC00] =	vst v63  }
0x95: {  	_ =	swait.ge [sflag:s0], $0x4000  }
0x96: {  	[sflag:s0] =	ssyncset.done $0x0  }
0x97: {  	s12 =	simm.s32 $0x2100;
	[sflag:s0] =	ssyncadd.s32 $0xFFFFC000  }
0x98: {  	[tilespmem:s23], [sflag:$0x1] =	stream.indirect.gather [hbm4b:s4+s29], $0x80, s12, s29, $0xb8;
	[tilespmem:$0x1FC00] =	vst v63  }
0x99: {  	_ =	swait.ge [sflag:s30], $0x4000  }
0x9a: {  	[sflag:s30] =	ssyncset.done $0x0  }
0x9b: {  	s13 =	simm.s32 $0x3100;
	[sflag:s30] =	ssyncadd.s32 $0xFFFFC000  }
0x9c: {  	[spmem:s2] =	stream.indirect.scatter.add.f32 [tilespmem:s23], [sflag:$0x3], $0x80, s13, s29, $0xb8;
	[tilespmem:$0x1FC00] =	vst v63  }
0x9d: {  	_ =	swait.ge [sflag:s6], $0x4000  }
0x9e: {  	[sflag:s6] =	ssyncset.done $0x0  }
0x9f: {  	s11 =	simm.s32 $0xFFFFC800;
	s12 =	simm.s32 $0x2180;
	[sflag:s6] =	ssyncadd.s32 $0xFFFFC000  }
.LBB2_6:
0xa0: {  	[tilespmem:s31], [sflag:$0x2] =	stream.indirect.gather [hbm4b:s4+s29], $0x80, s12, s29, $0xb8;
	[tilespmem:$0x1FC00] =	vst v63  }
0xa1: {  	s12 =	smov.u32 s11  }
0xa2: {  	p0 =	sne.s32 s11, $0xFFFFFC00;
	s11 =	sadd.s32 $0x400, s11;
	_ =	swait.ge [sflag:s1], $0x4000  }
0xa3: {  	s12 =	sshra.s32 s12, $0x2;
	[sflag:s1] =	ssyncset.done $0x0  }
0xa4: {  	s13 =	sadd.s32 $0x3F80, s12;
	[sflag:s1] =	ssyncadd.s32 $0xFFFFC000  }
0xa5: {  	[spmem:s2] =	stream.indirect.scatter.add.f32 [tilespmem:s31], [sflag:$0x4], $0x80, s13, s29, $0xb8;
	[tilespmem:$0x1FC00] =	vst v63  }
0xa6: {  	_ =	swait.ge [sflag:s0], $0x4000  }
0xa7: {  	[sflag:s0] =	ssyncset.done $0x0  }
0xa8: {  	s13 =	sadd.s32 $0x3000, s12;
	[sflag:s0] =	ssyncadd.s32 $0xFFFFC000  }
0xa9: {  	[tilespmem:s23], [sflag:$0x1] =	stream.indirect.gather [hbm4b:s4+s29], $0x80, s13, s29, $0xb8;
	[tilespmem:$0x1FC00] =	vst v63  }
0xaa: {  	_ =	swait.ge [sflag:s30], $0x4000  }
0xab: {  	[sflag:s30] =	ssyncset.done $0x0  }
.Ltmp2:
0xac: {  	s13 =	sadd.s32 $0x4000, s12;
	[sflag:s30] =	ssyncadd.s32 $0xFFFFC000;
	(pc) =	sbr.rel @p0 .LBB2_6-.Ltmp2, $4  }
0xad: {  	[spmem:s2] =	stream.indirect.scatter.add.f32 [tilespmem:s23], [sflag:$0x3], $0x80, s13, s29, $0xb8;
	[tilespmem:$0x1FC00] =	vst v63  }
0xae: {  	_ =	swait.ge [sflag:s6], $0x4000  }
0xaf: {  	[sflag:s6] =	ssyncset.done $0x0  }
0xb0: {  	s12 =	sadd.s32 $0x3080, s12;
	[sflag:s6] =	ssyncadd.s32 $0xFFFFC000  }
0xb1: {  	[tilespmem:s31], [sflag:$0x2] =	stream.indirect.gather [hbm4b:s4+s29], $0x80, s12, s29, $0xb8;
	[tilespmem:$0x1FC00] =	vst v63  }
0xb2: {  	_ =	swait.ge [sflag:s1], $0x4000  }
0xb3: {  	[sflag:s1] =	ssyncset.done $0x0  }
0xb4: {  	[sflag:s1] =	ssyncadd.s32 $0xFFFFC000  }
0xb5: {  	[spmem:s2] =	stream.indirect.scatter.add.f32 [tilespmem:s31], [sflag:$0x4], $0x80, s9, s29, $0xb8;
	[tilespmem:$0x1FC00] =	vst v63  }
0xb6: {  	_ =	swait.ge [sflag:s0], $0x4000  }
0xb7: {  	[sflag:s0] =	ssyncset.done $0x0  }
0xb8: {  	[sflag:s0] =	ssyncadd.s32 $0xFFFFC000  }
0xb9: {  	_ =	swait.ge [sflag:s6], $0x4000  }
0xba: {  	[sflag:s6] =	ssyncset.done $0x0  }
0xbb: {  	[sflag:s6] =	ssyncadd.s32 $0xFFFFC000  }
0xbc: {  	_ =	swait.ge [sflag:s25], $0x1000  }
0xbd: {  	[sflag:s25] =	ssyncset.done $0x0  }
0xbe: {  	[sflag:s25] =	ssyncadd.s32 $0xFFFFF000  }
0xbf: {  	_ =	swait.ge [sflag:s25], $0x1000  }
0xc0: {  	[sflag:s25] =	ssyncset.done $0x0  }
0xc1: {  	[sflag:s25] =	ssyncadd.s32 $0xFFFFF000  }
0xc2: {  	[tilespmem:s26], [sflag:$0x5] =	stream.linear.gather [hbm4b:s16+s3], $0x1000, $0x38;
	[tilespmem:$0x1FC00] =	vst v63  }
0xc3: {  	_ = 	snop  }
0xc4: {  	[tilespmem:s28], [sflag:$0x5] =	stream.linear.gather [hbm4b:s17+s3], $0x1000, $0x38;
	[tilespmem:$0x1FC00] =	vst v63  }
0xc5: {  	_ = 	snop  }
0xc6: {  	[tilespmem:s23], [sflag:$0x1] =	stream.indirect.gather [hbm4b:s4+s29], $0x80, s3, s29, $0xb8;
	[tilespmem:$0x1FC00] =	vst v63  }
0xc7: {  	_ =	swait.ge [sflag:s30], $0x4000  }
0xc8: {  	[sflag:s30] =	ssyncset.done $0x0  }
0xc9: {  	[sflag:s30] =	ssyncadd.s32 $0xFFFFC000  }
0xca: {  	[spmem:s2] =	stream.indirect.scatter.add.f32 [tilespmem:s23], [sflag:$0x3], $0x80, s22, s29, $0xb8;
	[tilespmem:$0x1FC00] =	vst v63  }
0xcb: {  	_ = 	snop  }
0xcc: {  	[tilespmem:s31], [sflag:$0x2] =	stream.indirect.gather [hbm4b:s4+s29], $0x80, s29, s29, $0xb8;
	[tilespmem:$0x1FC00] =	vst v63  }
0xcd: {  	_ =	swait.ge [sflag:s1], $0x4000  }
0xce: {  	[sflag:s1] =	ssyncset.done $0x0  }
0xcf: {  	s11 =	simm.s32 $0x1080;
	[sflag:s1] =	ssyncadd.s32 $0xFFFFC000  }
0xd0: {  	[spmem:s2] =	stream.indirect.scatter.add.f32 [tilespmem:s31], [sflag:$0x4], $0x80, s11, s29, $0xb8;
	[tilespmem:$0x1FC00] =	vst v63  }
0xd1: {  	_ =	swait.ge [sflag:s0], $0x4000  }
0xd2: {  	[sflag:s0] =	ssyncset.done $0x0  }
0xd3: {  	s12 =	simm.s32 $0x100;
	[sflag:s0] =	ssyncadd.s32 $0xFFFFC000  }
0xd4: {  	[tilespmem:s23], [sflag:$0x1] =	stream.indirect.gather [hbm4b:s4+s29], $0x80, s12, s29, $0xb8;
	[tilespmem:$0x1FC00] =	vst v63  }
0xd5: {  	_ =	swait.ge [sflag:s30], $0x4000  }
0xd6: {  	[sflag:s30] =	ssyncset.done $0x0  }
0xd7: {  	s13 =	simm.s32 $0x1100;
	[sflag:s30] =	ssyncadd.s32 $0xFFFFC000  }
0xd8: {  	[spmem:s2] =	stream.indirect.scatter.add.f32 [tilespmem:s23], [sflag:$0x3], $0x80, s13, s29, $0xb8;
	[tilespmem:$0x1FC00] =	vst v63  }
0xd9: {  	_ =	swait.ge [sflag:s6], $0x4000  }
0xda: {  	[sflag:s6] =	ssyncset.done $0x0  }
0xdb: {  	s11 =	simm.s32 $0xFFFFC800;
	s12 =	simm.s32 $0x180;
	[sflag:s6] =	ssyncadd.s32 $0xFFFFC000  }
.LBB2_8:
0xdc: {  	[tilespmem:s31], [sflag:$0x2] =	stream.indirect.gather [hbm4b:s4+s29], $0x80, s12, s29, $0xb8;
	[tilespmem:$0x1FC00] =	vst v63  }
0xdd: {  	s12 =	smov.u32 s11  }
0xde: {  	p0 =	sne.s32 s11, $0xFFFFFC00;
	s11 =	sadd.s32 $0x400, s11;
	_ =	swait.ge [sflag:s1], $0x4000  }
0xdf: {  	s12 =	sshra.s32 s12, $0x2;
	[sflag:s1] =	ssyncset.done $0x0  }
0xe0: {  	s13 =	sadd.s32 $0x1F80, s12;
	[sflag:s1] =	ssyncadd.s32 $0xFFFFC000  }
0xe1: {  	[spmem:s2] =	stream.indirect.scatter.add.f32 [tilespmem:s31], [sflag:$0x4], $0x80, s13, s29, $0xb8;
	[tilespmem:$0x1FC00] =	vst v63  }
0xe2: {  	_ =	swait.ge [sflag:s0], $0x4000  }
0xe3: {  	[sflag:s0] =	ssyncset.done $0x0  }
0xe4: {  	s13 =	sadd.s32 $0x1000, s12;
	[sflag:s0] =	ssyncadd.s32 $0xFFFFC000  }
0xe5: {  	[tilespmem:s23], [sflag:$0x1] =	stream.indirect.gather [hbm4b:s4+s29], $0x80, s13, s29, $0xb8;
	[tilespmem:$0x1FC00] =	vst v63  }
0xe6: {  	_ =	swait.ge [sflag:s30], $0x4000  }
0xe7: {  	[sflag:s30] =	ssyncset.done $0x0  }
.Ltmp3:
0xe8: {  	s13 =	sadd.s32 $0x2000, s12;
	[sflag:s30] =	ssyncadd.s32 $0xFFFFC000;
	(pc) =	sbr.rel @p0 .LBB2_8-.Ltmp3, $4  }
0xe9: {  	[spmem:s2] =	stream.indirect.scatter.add.f32 [tilespmem:s23], [sflag:$0x3], $0x80, s13, s29, $0xb8;
	[tilespmem:$0x1FC00] =	vst v63  }
0xea: {  	_ =	swait.ge [sflag:s6], $0x4000  }
0xeb: {  	[sflag:s6] =	ssyncset.done $0x0  }
0xec: {  	s12 =	sadd.s32 $0x1080, s12;
	[sflag:s6] =	ssyncadd.s32 $0xFFFFC000  }
0xed: {  	[tilespmem:s31], [sflag:$0x2] =	stream.indirect.gather [hbm4b:s4+s29], $0x80, s12, s29, $0xb8;
	[tilespmem:$0x1FC00] =	vst v63  }
0xee: {  	_ =	swait.ge [sflag:s1], $0x4000  }
0xef: {  	[sflag:s1] =	ssyncset.done $0x0  }
0xf0: {  	[sflag:s1] =	ssyncadd.s32 $0xFFFFC000  }
0xf1: {  	[spmem:s2] =	stream.indirect.scatter.add.f32 [tilespmem:s31], [sflag:$0x4], $0x80, s7, s29, $0xb8;
	[tilespmem:$0x1FC00] =	vst v63  }
0xf2: {  	_ =	swait.ge [sflag:s0], $0x4000  }
0xf3: {  	[sflag:s0] =	ssyncset.done $0x0  }
0xf4: {  	[sflag:s0] =	ssyncadd.s32 $0xFFFFC000  }
0xf5: {  	_ =	swait.ge [sflag:s6], $0x4000  }
0xf6: {  	[sflag:s6] =	ssyncset.done $0x0  }
0xf7: {  	[sflag:s6] =	ssyncadd.s32 $0xFFFFC000  }
0xf8: {  	_ =	swait.ge [sflag:s25], $0x1000  }
0xf9: {  	[sflag:s25] =	ssyncset.done $0x0  }
0xfa: {  	[sflag:s25] =	ssyncadd.s32 $0xFFFFF000  }
0xfb: {  	_ =	swait.ge [sflag:s25], $0x1000  }
0xfc: {  	[sflag:s25] =	ssyncset.done $0x0  }
0xfd: {  	[sflag:s25] =	ssyncadd.s32 $0xFFFFF000  }
0xfe: {  	[tilespmem:s3], [sflag:$0x5] =	stream.linear.gather [hbm4b:s18+s3], $0x1000, $0x38;
	[tilespmem:$0x1FC00] =	vst v63  }
0xff: {  	_ = 	snop  }
0x100: {  	[tilespmem:s22], [sflag:$0x5] =	stream.linear.gather [hbm4b:s19+s3], $0x1000, $0x38;
	[tilespmem:$0x1FC00] =	vst v63  }
0x101: {  	_ = 	snop  }
0x102: {  	[tilespmem:s23], [sflag:$0x1] =	stream.indirect.gather [hbm4b:s4+s29], $0x80, s26, s29, $0xb8;
	[tilespmem:$0x1FC00] =	vst v63  }
0x103: {  	_ =	swait.ge [sflag:s30], $0x4000  }
0x104: {  	[sflag:s30] =	ssyncset.done $0x0  }
0x105: {  	[sflag:s30] =	ssyncadd.s32 $0xFFFFC000  }
0x106: {  	[spmem:s2] =	stream.indirect.scatter.add.f32 [tilespmem:s23], [sflag:$0x3], $0x80, s28, s29, $0xb8;
	[tilespmem:$0x1FC00] =	vst v63  }
0x107: {  	_ = 	snop  }
0x108: {  	[tilespmem:s31], [sflag:$0x2] =	stream.indirect.gather [hbm4b:s4+s29], $0x80, s8, s29, $0xb8;
	[tilespmem:$0x1FC00] =	vst v63  }
0x109: {  	_ =	swait.ge [sflag:s1], $0x4000  }
0x10a: {  	[sflag:s1] =	ssyncset.done $0x0  }
0x10b: {  	s11 =	simm.s32 $0x3080;
	[sflag:s1] =	ssyncadd.s32 $0xFFFFC000  }
0x10c: {  	[spmem:s2] =	stream.indirect.scatter.add.f32 [tilespmem:s31], [sflag:$0x4], $0x80, s11, s29, $0xb8;
	[tilespmem:$0x1FC00] =	vst v63  }
0x10d: {  	_ =	swait.ge [sflag:s0], $0x4000  }
0x10e: {  	[sflag:s0] =	ssyncset.done $0x0  }
0x10f: {  	s12 =	simm.s32 $0x2100;
	[sflag:s0] =	ssyncadd.s32 $0xFFFFC000  }
0x110: {  	[tilespmem:s23], [sflag:$0x1] =	stream.indirect.gather [hbm4b:s4+s29], $0x80, s12, s29, $0xb8;
	[tilespmem:$0x1FC00] =	vst v63  }
0x111: {  	_ =	swait.ge [sflag:s30], $0x4000  }
0x112: {  	[sflag:s30] =	ssyncset.done $0x0  }
0x113: {  	s13 =	simm.s32 $0x3100;
	[sflag:s30] =	ssyncadd.s32 $0xFFFFC000  }
0x114: {  	[spmem:s2] =	stream.indirect.scatter.add.f32 [tilespmem:s23], [sflag:$0x3], $0x80, s13, s29, $0xb8;
	[tilespmem:$0x1FC00] =	vst v63  }
0x115: {  	_ =	swait.ge [sflag:s6], $0x4000  }
0x116: {  	[sflag:s6] =	ssyncset.done $0x0  }
0x117: {  	s11 =	simm.s32 $0xFFFFC800;
	s12 =	simm.s32 $0x2180;
	[sflag:s6] =	ssyncadd.s32 $0xFFFFC000  }
.LBB2_10:
0x118: {  	[tilespmem:s31], [sflag:$0x2] =	stream.indirect.gather [hbm4b:s4+s29], $0x80, s12, s29, $0xb8;
	[tilespmem:$0x1FC00] =	vst v63  }
0x119: {  	s12 =	smov.u32 s11  }
0x11a: {  	p0 =	sne.s32 s11, $0xFFFFFC00;
	s11 =	sadd.s32 $0x400, s11;
	_ =	swait.ge [sflag:s1], $0x4000  }
0x11b: {  	s12 =	sshra.s32 s12, $0x2;
	[sflag:s1] =	ssyncset.done $0x0  }
0x11c: {  	s13 =	sadd.s32 $0x3F80, s12;
	[sflag:s1] =	ssyncadd.s32 $0xFFFFC000  }
0x11d: {  	[spmem:s2] =	stream.indirect.scatter.add.f32 [tilespmem:s31], [sflag:$0x4], $0x80, s13, s29, $0xb8;
	[tilespmem:$0x1FC00] =	vst v63  }
0x11e: {  	_ =	swait.ge [sflag:s0], $0x4000  }
0x11f: {  	[sflag:s0] =	ssyncset.done $0x0  }
0x120: {  	s13 =	sadd.s32 $0x3000, s12;
	[sflag:s0] =	ssyncadd.s32 $0xFFFFC000  }
0x121: {  	[tilespmem:s23], [sflag:$0x1] =	stream.indirect.gather [hbm4b:s4+s29], $0x80, s13, s29, $0xb8;
	[tilespmem:$0x1FC00] =	vst v63  }
0x122: {  	_ =	swait.ge [sflag:s30], $0x4000  }
0x123: {  	[sflag:s30] =	ssyncset.done $0x0  }
.Ltmp4:
0x124: {  	s13 =	sadd.s32 $0x4000, s12;
	[sflag:s30] =	ssyncadd.s32 $0xFFFFC000;
	(pc) =	sbr.rel @p0 .LBB2_10-.Ltmp4, $4  }
0x125: {  	[spmem:s2] =	stream.indirect.scatter.add.f32 [tilespmem:s23], [sflag:$0x3], $0x80, s13, s29, $0xb8;
	[tilespmem:$0x1FC00] =	vst v63  }
0x126: {  	_ =	swait.ge [sflag:s6], $0x4000  }
0x127: {  	[sflag:s6] =	ssyncset.done $0x0  }
0x128: {  	s12 =	sadd.s32 $0x3080, s12;
	[sflag:s6] =	ssyncadd.s32 $0xFFFFC000  }
0x129: {  	[tilespmem:s31], [sflag:$0x2] =	stream.indirect.gather [hbm4b:s4+s29], $0x80, s12, s29, $0xb8;
	[tilespmem:$0x1FC00] =	vst v63  }
0x12a: {  	_ =	swait.ge [sflag:s1], $0x4000  }
0x12b: {  	[sflag:s1] =	ssyncset.done $0x0  }
0x12c: {  	[sflag:s1] =	ssyncadd.s32 $0xFFFFC000  }
0x12d: {  	[spmem:s2] =	stream.indirect.scatter.add.f32 [tilespmem:s31], [sflag:$0x4], $0x80, s9, s29, $0xb8;
	[tilespmem:$0x1FC00] =	vst v63  }
0x12e: {  	_ =	swait.ge [sflag:s0], $0x4000  }
0x12f: {  	[sflag:s0] =	ssyncset.done $0x0  }
0x130: {  	[sflag:s0] =	ssyncadd.s32 $0xFFFFC000  }
0x131: {  	_ =	swait.ge [sflag:s6], $0x4000  }
0x132: {  	[sflag:s6] =	ssyncset.done $0x0  }
0x133: {  	[sflag:s6] =	ssyncadd.s32 $0xFFFFC000  }
0x134: {  	_ =	swait.ge [sflag:s25], $0x1000  }
0x135: {  	[sflag:s25] =	ssyncset.done $0x0  }
0x136: {  	[sflag:s25] =	ssyncadd.s32 $0xFFFFF000  }
0x137: {  	_ =	swait.ge [sflag:s25], $0x1000  }
0x138: {  	[sflag:s25] =	ssyncset.done $0x0  }
0x139: {  	[sflag:s25] =	ssyncadd.s32 $0xFFFFF000  }
0x13a: {  	[tilespmem:s23], [sflag:$0x1] =	stream.indirect.gather [hbm4b:s4+s29], $0x80, s3, s29, $0xb8;
	[tilespmem:$0x1FC00] =	vst v63  }
0x13b: {  	_ =	swait.ge [sflag:s30], $0x4000  }
0x13c: {  	[sflag:s30] =	ssyncset.done $0x0  }
0x13d: {  	[sflag:s30] =	ssyncadd.s32 $0xFFFFC000  }
0x13e: {  	[spmem:s2] =	stream.indirect.scatter.add.f32 [tilespmem:s23], [sflag:$0x3], $0x80, s22, s29, $0xb8;
	[tilespmem:$0x1FC00] =	vst v63  }
0x13f: {  	_ = 	snop  }
0x140: {  	[tilespmem:s31], [sflag:$0x2] =	stream.indirect.gather [hbm4b:s4+s29], $0x80, s29, s29, $0xb8;
	[tilespmem:$0x1FC00] =	vst v63  }
0x141: {  	_ =	swait.ge [sflag:s1], $0x4000  }
0x142: {  	[sflag:s1] =	ssyncset.done $0x0  }
0x143: {  	s11 =	simm.s32 $0x1080;
	[sflag:s1] =	ssyncadd.s32 $0xFFFFC000  }
0x144: {  	[spmem:s2] =	stream.indirect.scatter.add.f32 [tilespmem:s31], [sflag:$0x4], $0x80, s11, s29, $0xb8;
	[tilespmem:$0x1FC00] =	vst v63  }
0x145: {  	_ =	swait.ge [sflag:s0], $0x4000  }
0x146: {  	[sflag:s0] =	ssyncset.done $0x0  }
0x147: {  	s12 =	simm.s32 $0x100;
	[sflag:s0] =	ssyncadd.s32 $0xFFFFC000  }
0x148: {  	[tilespmem:s23], [sflag:$0x1] =	stream.indirect.gather [hbm4b:s4+s29], $0x80, s12, s29, $0xb8;
	[tilespmem:$0x1FC00] =	vst v63  }
0x149: {  	_ =	swait.ge [sflag:s30], $0x4000  }
0x14a: {  	[sflag:s30] =	ssyncset.done $0x0  }
0x14b: {  	s13 =	simm.s32 $0x1100;
	[sflag:s30] =	ssyncadd.s32 $0xFFFFC000  }
0x14c: {  	[spmem:s2] =	stream.indirect.scatter.add.f32 [tilespmem:s23], [sflag:$0x3], $0x80, s13, s29, $0xb8;
	[tilespmem:$0x1FC00] =	vst v63  }
0x14d: {  	_ =	swait.ge [sflag:s6], $0x4000  }
0x14e: {  	[sflag:s6] =	ssyncset.done $0x0  }
0x14f: {  	s11 =	simm.s32 $0xFFFFC800;
	s12 =	simm.s32 $0x180;
	[sflag:s6] =	ssyncadd.s32 $0xFFFFC000  }
.LBB2_12:
0x150: {  	[tilespmem:s31], [sflag:$0x2] =	stream.indirect.gather [hbm4b:s4+s29], $0x80, s12, s29, $0xb8;
	[tilespmem:$0x1FC00] =	vst v63  }
0x151: {  	s12 =	smov.u32 s11  }
0x152: {  	p0 =	sne.s32 s11, $0xFFFFFC00;
	s11 =	sadd.s32 $0x400, s11;
	_ =	swait.ge [sflag:s1], $0x4000  }
0x153: {  	s12 =	sshra.s32 s12, $0x2;
	[sflag:s1] =	ssyncset.done $0x0  }
0x154: {  	s13 =	sadd.s32 $0x1F80, s12;
	[sflag:s1] =	ssyncadd.s32 $0xFFFFC000  }
0x155: {  	[spmem:s2] =	stream.indirect.scatter.add.f32 [tilespmem:s31], [sflag:$0x4], $0x80, s13, s29, $0xb8;
	[tilespmem:$0x1FC00] =	vst v63  }
0x156: {  	_ =	swait.ge [sflag:s0], $0x4000  }
0x157: {  	[sflag:s0] =	ssyncset.done $0x0  }
0x158: {  	s13 =	sadd.s32 $0x1000, s12;
	[sflag:s0] =	ssyncadd.s32 $0xFFFFC000  }
0x159: {  	[tilespmem:s23], [sflag:$0x1] =	stream.indirect.gather [hbm4b:s4+s29], $0x80, s13, s29, $0xb8;
	[tilespmem:$0x1FC00] =	vst v63  }
0x15a: {  	_ =	swait.ge [sflag:s30], $0x4000  }
0x15b: {  	[sflag:s30] =	ssyncset.done $0x0  }
.Ltmp5:
0x15c: {  	s13 =	sadd.s32 $0x2000, s12;
	[sflag:s30] =	ssyncadd.s32 $0xFFFFC000;
	(pc) =	sbr.rel @p0 .LBB2_12-.Ltmp5, $4  }
0x15d: {  	[spmem:s2] =	stream.indirect.scatter.add.f32 [tilespmem:s23], [sflag:$0x3], $0x80, s13, s29, $0xb8;
	[tilespmem:$0x1FC00] =	vst v63  }
0x15e: {  	_ =	swait.ge [sflag:s6], $0x4000  }
0x15f: {  	[sflag:s6] =	ssyncset.done $0x0  }
0x160: {  	s12 =	sadd.s32 $0x1080, s12;
	[sflag:s6] =	ssyncadd.s32 $0xFFFFC000  }
0x161: {  	[tilespmem:s31], [sflag:$0x2] =	stream.indirect.gather [hbm4b:s4+s29], $0x80, s12, s29, $0xb8;
	[tilespmem:$0x1FC00] =	vst v63  }
0x162: {  	_ =	swait.ge [sflag:s1], $0x4000  }
0x163: {  	[sflag:s1] =	ssyncset.done $0x0  }
0x164: {  	[sflag:s1] =	ssyncadd.s32 $0xFFFFC000  }
0x165: {  	[spmem:s2] =	stream.indirect.scatter.add.f32 [tilespmem:s31], [sflag:$0x4], $0x80, s7, s29, $0xb8;
	[tilespmem:$0x1FC00] =	vst v63  }
0x166: {  	_ =	swait.ge [sflag:s0], $0x4000  }
0x167: {  	[sflag:s0] =	ssyncset.done $0x0  }
0x168: {  	[sflag:s0] =	ssyncadd.s32 $0xFFFFC000  }
0x169: {  	s11 =	stileid.u32;
	_ =	swait.ge [sflag:s6], $0x4000  }
0x16a: {  	s13 =	sshrl.u32 s5, $0x3;
	s10 =	sadd.s32 $0x1, s10;
	[sflag:s6] =	ssyncset.done $0x0  }
0x16b: {  	s11 =	sshll.u32 s11, $0x6;
	p0 =	sne.s32 s10, s21;
	[sflag:s6] =	ssyncadd.s32 $0xFFFFC000  }
.Ltmp6:
0x16c: {  	s11 =	sor.u32 $0x1C06, s11;
	[bflag:$0x0] =	sbarrier.arrive $0xFFFF;
	(pc) =	sbr.rel @p0 .LBB2_1-.Ltmp6, $4  }
0x16d: {  	[hbm:s20], [sflag:s11] =	dma.local [spmem:s13], $0x2780  }
0x16e: {  	_ =	swait.ge [sflag:s24], $0x2780  }
0x16f: {  	[sflag:s24] =	ssyncset.done $0x0  }
0x170: {  	[sflag:s24] =	ssyncadd.s32 $0xFFFFD880  }
0x171: {  	_ =	sfence.sel $0x180000  }
0x172: {  	[bflag:$0x0] =	sbarrier.arrive $0xFFFF  }
0x173: {  	_ =	strace $0x90000047  }
0x174: {  	s0 =	stileid.u32;
	[bflag:$0x2] =	sbarrier.arrive $0xFFFF  }
0x175: {  	p0 =	sne.s32 s0, $0x0;
	s0 =	rddreg [dreg:$0x4]  }
0x176: {  	s0 =	sadd.s32 @!p0 $0x100000, s0  }
0x177: {  	[sflag:s0] =	ssyncadd.tile.s32 @!p0 $0x1;
	_ =	shalt  }
.Lfunc_end2:
_tile_overlayer_lowered:
.L_overlay_start_2:
0x178: {  	(tag) =	ssettag $0x2  }
0x179: {  	s0 =	rddreg [dreg:$0x0];
	s2 =	stileid.u32  }
0x17a: {  	s1 =	rddreg [dreg:$0x1];
	p0 =	sne.s32 s2, $0x0  }
0x17b: {  	s3 =	rddreg [dreg:$0x2];
	[bflag:$0x3] =	sbarrier.arrive $0xFFFF;
	s2 =	simm.s32 @!p0 $0x1C06  }
0x17c: {  	[timem:s3], [sflag:s2] =	dma.local @!p0 [hbm:s0], s1  }
0x17d: {  	s0 =	simm.s32 @!p0 $0x6  }
0x17e: {  	_ =	swait.ge @!p0 [sflag:s0], s1  }
0x17f: {  	s1 =	ssub.s32 @!p0 $0x0, s1;
	[sflag:s0] =	ssyncset.done @!p0 $0x0  }
0x180: {  	[sflag:s0] =	ssyncadd.s32 @!p0 s1  }
0x181: {  	[bflag:$0x3] =	sbarrier.arrive $0xFFFF  }
0x182: {  	_ =	shalt  }

</sc_bundles>
